<compile_context>
chip_gen: v7x
topology: tpu7x:2x2x1
jax: 0.10.2.dev20260603
libtpu: 0.0.44.dev20260713+nightly
codegen_flags: <defaults>
</compile_context>

<pallas_src>
import functools

import jax
import jax.numpy as jnp
from jax import lax
from jax.experimental import pallas as pl
from jax.experimental.pallas import tpu as pltpu
from jax.experimental.pallas import tpu_sc as plsc

N, K, G, F = 10000, 32, 64, 128
NC, NS = 2, 16
NW = NC * NS
NBL = 256
CHUNKS = ((2816, 128), (2816, 128), (3072, 128), (1296, 48))


def _sc_gather(feat2d, idx, n0, nc, ch):
    mesh = plsc.VectorSubcoreMesh(
        core_axis_name="c", subcore_axis_name="s", num_cores=NC, num_subcores=NS
    )
    nch = nc // ch

    @functools.partial(
        pl.kernel,
        out_type=jax.ShapeDtypeStruct((K * nc, F), jnp.float32),
        mesh=mesh,
        scratch_types=[
            pltpu.VMEM((nc,), jnp.int32),
            pltpu.VMEM((2, ch, F), jnp.float32),
            pltpu.VMEM_SHARED((N, F), jnp.float32),
            pltpu.SemaphoreType.DMA,
            pltpu.SemaphoreType.DMA,
        ],
    )
    def gather_k(feat_hbm, idx_hbm, out_hbm, idx_v, rows_v, feat_sh, gsem, osem):
        wid = lax.axis_index("s") * NC + lax.axis_index("c")
        sid = lax.axis_index("s")
        obase = wid * nc
        pltpu.sync_copy(
            feat_hbm.at[pl.ds(sid * 624, 624)],
            feat_sh.at[pl.ds(sid * 624, 624)],
        )

        @pl.when(sid == 0)
        def _():
            pltpu.sync_copy(
                feat_hbm.at[pl.ds(9984, N - 9984)],
                feat_sh.at[pl.ds(9984, N - 9984)],
            )
        pltpu.sync_copy(idx_hbm.at[pl.ds(wid * N + n0, nc)], idx_v)
        plsc.subcore_barrier()

        def start_gather(c, slot):
            pltpu.async_copy(
                feat_sh.at[idx_v.at[pl.ds(c * ch, ch)]], rows_v.at[slot], gsem
            )

        def wait_gather(c, slot):
            pltpu.make_async_copy(
                feat_sh.at[idx_v.at[pl.ds(c * ch, ch)]], rows_v.at[slot], gsem
            ).wait()

        def start_ocopy(c, slot):
            pltpu.async_copy(
                rows_v.at[slot], out_hbm.at[pl.ds(obase + c * ch, ch)], osem
            )

        def wait_ocopy(c, slot):
            pltpu.make_async_copy(
                rows_v.at[slot], out_hbm.at[pl.ds(obase + c * ch, ch)], osem
            ).wait()

        start_gather(0, 0)

        def body(c, _):
            slot = lax.rem(c, 2)
            nslot = lax.rem(c + 1, 2)

            @pl.when(jnp.logical_and(c + 1 < nch, c >= 1))
            def _():
                wait_ocopy(c - 1, nslot)

            @pl.when(c + 1 < nch)
            def _():
                start_gather(c + 1, nslot)

            wait_gather(c, slot)
            start_ocopy(c, slot)
            return 0

        lax.fori_loop(0, nch, body, 0)
        wait_ocopy(nch - 2, lax.rem(nch - 2, 2))
        wait_ocopy(nch - 1, lax.rem(nch - 1, 2))

    return gather_k(feat2d, idx)


def _tc_conv(rbf_t, nf3, w1t, b1, w2t, b2, out_acc, blk0, nc):
    grid = pl.cdiv(nc, NBL)

    def body(rbf_ref, nf_ref, w1_ref, b1_ref, w2_ref, b2_ref, _acc_ref, out_ref):
        r = rbf_ref[0]
        h = jnp.tanh(
            lax.dot_general(
                r, w1_ref[...], (((1,), (0,)), ((), ())),
                preferred_element_type=jnp.float32,
            )
            + b1_ref[...]
        )
        filt = (
            lax.dot_general(
                h, w2_ref[...], (((2,), (0,)), ((), ())),
                preferred_element_type=jnp.float32,
            )
            + b2_ref[...]
        )
        prod = filt * nf_ref[...]
        out_ref[...] = prod.sum(axis=0)

    return pl.pallas_call(
        body,
        grid=(grid,),
        in_specs=[
            pl.BlockSpec((1, K, G, NBL), lambda i: (0, 0, 0, i + blk0)),
            pl.BlockSpec((K, NBL, F), lambda i: (0, i, 0)),
            pl.BlockSpec((G, F), lambda i: (0, 0)),
            pl.BlockSpec((1, F), lambda i: (0, 0)),
            pl.BlockSpec((F, F), lambda i: (0, 0)),
            pl.BlockSpec((1, F), lambda i: (0, 0)),
            pl.BlockSpec(memory_space=pltpu.MemorySpace.HBM),
        ],
        out_specs=pl.BlockSpec((NBL, F), lambda i: (i + blk0, 0)),
        out_shape=jax.ShapeDtypeStruct((N, F), jnp.float32),
        input_output_aliases={6: 0},
        compiler_params=pltpu.CompilerParams(
            dimension_semantics=("arbitrary",)
        ),
    )(rbf_t, nf3, w1t, b1, w2t, b2, out_acc)


def kernel(features, rbf_expansion, neighbor_list, W1, b1, W2, b2):
    feat2d = features.reshape(N, F)
    idx = neighbor_list.transpose(0, 2, 1).reshape(K * N)
    rbf_t = rbf_expansion.transpose(0, 2, 3, 1)
    w1t, w2t = W1.T, W2.T
    b1r, b2r = b1.reshape(1, F), b2.reshape(1, F)

    out = jnp.zeros((N, F), jnp.float32)
    n0 = 0
    for nc, ch in CHUNKS:
        nf3 = _sc_gather(feat2d, idx, n0, nc, ch).reshape(K, nc, F)
        out = _tc_conv(rbf_t, nf3, w1t, b1r, w2t, b2r, out, n0 // NBL, nc)
        n0 += nc
    return out.reshape(1, N, F)

# --- scband reference (transcript-rebuilt; emitter-appended) ---
"""Pipeline reference for scband-continuous-filter-conv-63342177681981 (READ-ONLY COPY).

The authoritative reference and input builder live on the scoring server;
editing this copy changes nothing except your own understanding.
"""

import jax, jax.numpy as jnp
import numpy as np

B, N, K, G, F = 1, 10000, 32, 64, 128

def setup_inputs(seed: int = 0):
    key = jax.random.key(seed)
    k1, k2, k3, k4, k5, k6, k7 = jax.random.split(key, 7)
    features = jax.random.normal(k1, (B, N, F), dtype=jnp.float32)
    rbf_expansion = jax.random.uniform(k2, (B, N, K, G), dtype=jnp.float32)
    neighbor_list = jax.random.randint(k3, (B, N, K), 0, N, dtype=jnp.int32)
    # filter generator params: Linear(G->F) + Tanh, Linear(F->F)
    a1 = np.sqrt(6.0 / (G + F))  # xavier uniform
    W1 = jax.random.uniform(k4, (F, G), dtype=jnp.float32, minval=-a1, maxval=a1)
    b1 = jax.random.uniform(k5, (F,), dtype=jnp.float32, minval=-1.0/np.sqrt(G), maxval=1.0/np.sqrt(G))
    a2 = np.sqrt(6.0 / (F + F))
    W2 = jax.random.uniform(k6, (F, F), dtype=jnp.float32, minval=-a2, maxval=a2)
    b2 = jax.random.uniform(k7, (F,), dtype=jnp.float32, minval=-1.0/np.sqrt(F), maxval=1.0/np.sqrt(F))
    return {"features": features, "rbf_expansion": rbf_expansion, "neighbor_list": neighbor_list,
            "W1": W1, "b1": b1, "W2": W2, "b2": b2}

def reference(features, rbf_expansion, neighbor_list, W1, b1, W2, b2):
    # filter generating network: Linear + Tanh, Linear (no final activation)
    h = jnp.tanh(jnp.dot(rbf_expansion.astype(jnp.float32), W1.T) + b1)
    conv_filter = jnp.dot(h, W2.T) + b2  # [B, N, K, F]
    nb, na, nk = neighbor_list.shape
    nf_dim = features.shape[2]
    idx = neighbor_list.reshape(nb, na * nk, 1)
    neighbor_features = jnp.take_along_axis(features, idx, axis=1)  # [B, N*K, F]
    neighbor_features = neighbor_features.reshape(nb, na, nk, nf_dim)
    conv_features = neighbor_features * conv_filter
    aggregated_features = jnp.sum(conv_features, axis=2)  # [B, N, F]
    return aggregated_features

if __name__ == "__main__":
    import jax
    _d = setup_inputs()
    print(jax.jit(kernel)(*tuple(_d.values())))

</pallas_src>

<mosaic_0001>
#map = affine_map<(d0, d1) -> (0, 0)>
#map1 = affine_map<(d0, d1) -> (0)>
module attributes {stable_mosaic.version = 14 : i64} {
  func.func @gather_k(%arg0: i32, %arg1: i32, %arg2: memref<10000x128xf32, #tpu.memory_space<hbm>>, %arg3: memref<320000xi32, #tpu.memory_space<hbm>>, %arg4: memref<41472x128xf32, #tpu.memory_space<hbm>>, %arg5: memref<1296xi32, #tpu.memory_space<vmem>>, %arg6: memref<2x48x128xf32, #tpu.memory_space<vmem>>, %arg7: memref<10000x128xf32, #tpu.memory_space<vmem_shared>>, %arg8: memref<!tpu.dma_semaphore, #tpu.memory_space<semaphore_mem>>, %arg9: memref<!tpu.dma_semaphore, #tpu.memory_space<semaphore_mem>>) attributes {dimension_semantics = [#tpu.dimension_semantics<core_parallel>, #tpu.dimension_semantics<subcore_parallel>], iteration_bounds = array<i64: 2, 16>, scalar_prefetch = 0 : i64, scratch_operands = 5 : i64, tpu.core_type = #tpu.core_type<sc_vector_subcore>, window_params = [{transform_indices = #map}, {transform_indices = #map1}, {transform_indices = #map}]} {
    %mul3A = arith.constant 2 : i32
    %mul3A_0 = arith.muli %arg1, %mul3A : i32
    %add3A = arith.addi %mul3A_0, %arg0 : i32
    %mul3A_1 = arith.constant 1296 : i32
    %mul3A_2 = arith.muli %add3A, %mul3A_1 : i32
    %mul3A_3 = arith.constant 624 : i32
    %mul3A_4 = arith.muli %arg1, %mul3A_3 : i32
    %mul3A_5 = arith.constant 624 : i32
    %mul3A_6 = arith.muli %arg1, %mul3A_5 : i32
    "tpu.region"() ({
      %run_scoped3A = tpu.sem_alloc : memref<!tpu.dma_semaphore, #tpu.memory_space<semaphore_mem>>
      %dma_start3A_60 = arith.constant 0 : i32
      %dma_start3A_61 = tpu.memref_slice %arg7[%mul3A_6, %dma_start3A_60] : memref<10000x128xf32, #tpu.memory_space<vmem_shared>> -> memref<624x128xf32, #tpu.memory_space<vmem_shared>>
      %dma_start3A_62 = arith.constant 0 : i32
      %dma_start3A_63 = tpu.memref_slice %arg2[%mul3A_4, %dma_start3A_62] : memref<10000x128xf32, #tpu.memory_space<hbm>> -> memref<624x128xf32, #tpu.memory_space<hbm>>
      tpu.enqueue_dma source(%dma_start3A_63 : memref<624x128xf32, #tpu.memory_space<hbm>>) target(%dma_start3A_61 : memref<624x128xf32, #tpu.memory_space<vmem_shared>>) target_semaphore(%run_scoped3A : memref<!tpu.dma_semaphore, #tpu.memory_space<semaphore_mem>>)
      %dma_wait3A_64 = arith.constant 0 : i32
      %dma_wait3A_65 = tpu.memref_slice %arg7[%mul3A_6, %dma_wait3A_64] : memref<10000x128xf32, #tpu.memory_space<vmem_shared>> -> memref<624x128xf32, #tpu.memory_space<vmem_shared>>
      %dma_wait3A_66 = arith.constant 0 : i32
      %dma_wait3A_67 = tpu.memref_slice %arg2[%mul3A_4, %dma_wait3A_66] : memref<10000x128xf32, #tpu.memory_space<hbm>> -> memref<624x128xf32, #tpu.memory_space<hbm>>
      tpu.wait_dma2 semaphore(%run_scoped3A : memref<!tpu.dma_semaphore, #tpu.memory_space<semaphore_mem>>) src(%dma_wait3A_67 : memref<624x128xf32, #tpu.memory_space<hbm>>) dst(%dma_wait3A_65 : memref<624x128xf32, #tpu.memory_space<vmem_shared>>)
      tpu.yield
    }) : () -> ()
    %eq3A = arith.constant 0 : i32
    %eq3A_7 = arith.cmpi eq, %arg1, %eq3A : i32
    %convert_element_type3A = arith.extui %eq3A_7 : i1 to i32
    %cond3A = arith.constant 0 : i32
    %cond3A_8 = arith.cmpi ne, %convert_element_type3A, %cond3A : i32
    scf.if %cond3A_8 {
      "tpu.region"() ({
        %run_scoped3A = tpu.sem_alloc : memref<!tpu.dma_semaphore, #tpu.memory_space<semaphore_mem>>
        %dma_start3A_60 = arith.constant 9984 : i32
        %dma_start3A_61 = arith.constant 0 : i32
        %dma_start3A_62 = tpu.memref_slice %arg7[%dma_start3A_60, %dma_start3A_61] : memref<10000x128xf32, #tpu.memory_space<vmem_shared>> -> memref<16x128xf32, #tpu.memory_space<vmem_shared>>
        %dma_start3A_63 = arith.constant 9984 : i32
        %dma_start3A_64 = arith.constant 0 : i32
        %dma_start3A_65 = tpu.memref_slice %arg2[%dma_start3A_63, %dma_start3A_64] : memref<10000x128xf32, #tpu.memory_space<hbm>> -> memref<16x128xf32, #tpu.memory_space<hbm>>
        tpu.enqueue_dma source(%dma_start3A_65 : memref<16x128xf32, #tpu.memory_space<hbm>>) target(%dma_start3A_62 : memref<16x128xf32, #tpu.memory_space<vmem_shared>>) target_semaphore(%run_scoped3A : memref<!tpu.dma_semaphore, #tpu.memory_space<semaphore_mem>>)
        %dma_wait3A_66 = arith.constant 9984 : i32
        %dma_wait3A_67 = arith.constant 0 : i32
        %dma_wait3A_68 = tpu.memref_slice %arg7[%dma_wait3A_66, %dma_wait3A_67] : memref<10000x128xf32, #tpu.memory_space<vmem_shared>> -> memref<16x128xf32, #tpu.memory_space<vmem_shared>>
        %dma_wait3A_69 = arith.constant 9984 : i32
        %dma_wait3A_70 = arith.constant 0 : i32
        %dma_wait3A_71 = tpu.memref_slice %arg2[%dma_wait3A_69, %dma_wait3A_70] : memref<10000x128xf32, #tpu.memory_space<hbm>> -> memref<16x128xf32, #tpu.memory_space<hbm>>
        tpu.wait_dma2 semaphore(%run_scoped3A : memref<!tpu.dma_semaphore, #tpu.memory_space<semaphore_mem>>) src(%dma_wait3A_71 : memref<16x128xf32, #tpu.memory_space<hbm>>) dst(%dma_wait3A_68 : memref<16x128xf32, #tpu.memory_space<vmem_shared>>)
        tpu.yield
      }) : () -> ()
    } else {
    }
    %mul3A_9 = arith.constant 10000 : i32
    %mul3A_10 = arith.muli %add3A, %mul3A_9 : i32
    %add3A_11 = arith.constant 8704 : i32
    %add3A_12 = arith.addi %mul3A_10, %add3A_11 : i32
    "tpu.region"() ({
      %run_scoped3A = tpu.sem_alloc : memref<!tpu.dma_semaphore, #tpu.memory_space<semaphore_mem>>
      %dma_start3A_60 = tpu.memref_slice %arg3[%add3A_12] : memref<320000xi32, #tpu.memory_space<hbm>> -> memref<1296xi32, #tpu.memory_space<hbm>>
      %dma_start3A_61 = tpu.memref_slice %arg3[%add3A_12] : memref<320000xi32, #tpu.memory_space<hbm>> -> memref<1296xi32, #tpu.memory_space<hbm>>
      tpu.enqueue_dma source(%dma_start3A_61 : memref<1296xi32, #tpu.memory_space<hbm>>) target(%arg5 : memref<1296xi32, #tpu.memory_space<vmem>>) target_semaphore(%run_scoped3A : memref<!tpu.dma_semaphore, #tpu.memory_space<semaphore_mem>>)
      %dma_wait3A_62 = tpu.memref_slice %arg3[%add3A_12] : memref<320000xi32, #tpu.memory_space<hbm>> -> memref<1296xi32, #tpu.memory_space<hbm>>
      %dma_wait3A_63 = tpu.memref_slice %arg3[%add3A_12] : memref<320000xi32, #tpu.memory_space<hbm>> -> memref<1296xi32, #tpu.memory_space<hbm>>
      tpu.wait_dma2 semaphore(%run_scoped3A : memref<!tpu.dma_semaphore, #tpu.memory_space<semaphore_mem>>) src(%dma_wait3A_63 : memref<1296xi32, #tpu.memory_space<hbm>>) dst(%arg5 : memref<1296xi32, #tpu.memory_space<vmem>>)
      tpu.yield
    }) : () -> ()
    %barrier3A = arith.constant 0 : index
    tpu.barrier barrier_id(%barrier3A)
    %dma_start3A = arith.constant 0 : i32
    %dma_start3A_13 = arith.constant 0 : i32
    %dma_start3A_14 = arith.constant 0 : i32
    %dma_start3A_15 = tpu.memref_slice %arg6[%dma_start3A, %dma_start3A_13, %dma_start3A_14] : memref<2x48x128xf32, #tpu.memory_space<vmem>> -> memref<1x48x128xf32, #tpu.memory_space<vmem>>
    %dma_start3A_16 = tpu.memref_squeeze %dma_start3A_15 : memref<1x48x128xf32, #tpu.memory_space<vmem>> -> memref<48x128xf32, #tpu.memory_space<vmem>>
    %dma_start3A_17 = arith.constant 0 : i32
    %dma_start3A_18 = tpu.memref_slice %arg5[%dma_start3A_17] : memref<1296xi32, #tpu.memory_space<vmem>> -> memref<48xi32, #tpu.memory_space<vmem>>
    %dma_start3A_19 = arith.constant 0 : i32
    %dma_start3A_20 = arith.constant 0 : i32
    %dma_start3A_21 = tpu.memref_slice %arg7[%dma_start3A_19, %dma_start3A_20] : memref<10000x128xf32, #tpu.memory_space<vmem_shared>> -> memref<10000x128xf32, #tpu.memory_space<vmem_shared>>
    tpu.enqueue_indirect_dma source(%dma_start3A_21 : memref<10000x128xf32, #tpu.memory_space<vmem_shared>>) target(%dma_start3A_16 : memref<48x128xf32, #tpu.memory_space<vmem>>) offsets(%dma_start3A_18 : memref<48xi32, #tpu.memory_space<vmem>>) semaphore(%arg8 : memref<!tpu.dma_semaphore, #tpu.memory_space<semaphore_mem>>)
    %scan3A = arith.constant 0 : i32
    %scan3A_22 = arith.constant 0 : i32
    %scan3A_23 = arith.constant 27 : i32
    %scan3A_24 = arith.addi %scan3A_22, %scan3A_23 : i32
    %scan3A_25 = arith.constant 1 : i32
    %scan3A_26 = scf.for %scan3A_60 = %scan3A_22 to %scan3A_24 step %scan3A_25 iter_args(%scan3A_61 = %scan3A) -> (i32)  : i32 {
      %rem3A_62 = arith.constant 2 : i32
      %rem3A_63 = arith.remsi %scan3A_60, %rem3A_62 : i32
      %add3A_64 = arith.constant 1 : i32
      %add3A_65 = arith.addi %scan3A_60, %add3A_64 : i32
      %rem3A_66 = arith.constant 2 : i32
      %rem3A_67 = arith.remsi %add3A_65, %rem3A_66 : i32
      %add3A_68 = arith.constant 1 : i32
      %add3A_69 = arith.addi %scan3A_60, %add3A_68 : i32
      %lt3A = arith.constant 27 : i32
      %lt3A_70 = arith.cmpi slt, %add3A_69, %lt3A : i32
      %ge3A = arith.constant 1 : i32
      %ge3A_71 = arith.cmpi sge, %scan3A_60, %ge3A : i32
      %and3A = arith.andi %lt3A_70, %ge3A_71 : i1
      %convert_element_type3A_72 = arith.extui %and3A : i1 to i32
      %cond3A_73 = arith.constant 0 : i32
      %cond3A_74 = arith.cmpi ne, %convert_element_type3A_72, %cond3A_73 : i32
      scf.if %cond3A_74 {
        %sub3A = arith.constant 1 : i32
        %sub3A_108 = arith.subi %scan3A_60, %sub3A : i32
        %mul3A_109 = arith.constant 48 : i32
        %mul3A_110 = arith.muli %sub3A_108, %mul3A_109 : i32
        %add3A_111 = arith.addi %mul3A_2, %mul3A_110 : i32
        %dma_wait3A_112 = arith.constant 0 : i32
        %dma_wait3A_113 = arith.constant 0 : i32
        %dma_wait3A_114 = tpu.memref_slice %arg6[%rem3A_67, %dma_wait3A_112, %dma_wait3A_113] : memref<2x48x128xf32, #tpu.memory_space<vmem>> -> memref<1x48x128xf32, #tpu.memory_space<vmem>>
        %dma_wait3A_115 = tpu.memref_squeeze %dma_wait3A_114 : memref<1x48x128xf32, #tpu.memory_space<vmem>> -> memref<48x128xf32, #tpu.memory_space<vmem>>
        %dma_wait3A_116 = arith.constant 0 : i32
        %dma_wait3A_117 = tpu.memref_slice %arg4[%add3A_111, %dma_wait3A_116] : memref<41472x128xf32, #tpu.memory_space<hbm>> -> memref<48x128xf32, #tpu.memory_space<hbm>>
        %dma_wait3A_118 = arith.constant 0 : i32
        %dma_wait3A_119 = tpu.memref_slice %arg4[%add3A_111, %dma_wait3A_118] : memref<41472x128xf32, #tpu.memory_space<hbm>> -> memref<48x128xf32, #tpu.memory_space<hbm>>
        %dma_wait3A_120 = arith.constant 0 : i32
        %dma_wait3A_121 = arith.constant 0 : i32
        %dma_wait3A_122 = tpu.memref_slice %arg6[%rem3A_67, %dma_wait3A_120, %dma_wait3A_121] : memref<2x48x128xf32, #tpu.memory_space<vmem>> -> memref<1x48x128xf32, #tpu.memory_space<vmem>>
        %dma_wait3A_123 = tpu.memref_squeeze %dma_wait3A_122 : memref<1x48x128xf32, #tpu.memory_space<vmem>> -> memref<48x128xf32, #tpu.memory_space<vmem>>
        tpu.wait_dma2 semaphore(%arg9 : memref<!tpu.dma_semaphore, #tpu.memory_space<semaphore_mem>>) src(%dma_wait3A_123 : memref<48x128xf32, #tpu.memory_space<vmem>>) dst(%dma_wait3A_119 : memref<48x128xf32, #tpu.memory_space<hbm>>)
      } else {
      }
      %add3A_75 = arith.constant 1 : i32
      %add3A_76 = arith.addi %scan3A_60, %add3A_75 : i32
      %lt3A_77 = arith.constant 27 : i32
      %lt3A_78 = arith.cmpi slt, %add3A_76, %lt3A_77 : i32
      %convert_element_type3A_79 = arith.extui %lt3A_78 : i1 to i32
      %cond3A_80 = arith.constant 0 : i32
      %cond3A_81 = arith.cmpi ne, %convert_element_type3A_79, %cond3A_80 : i32
      scf.if %cond3A_81 {
        %add3A_108 = arith.constant 1 : i32
        %add3A_109 = arith.addi %scan3A_60, %add3A_108 : i32
        %mul3A_110 = arith.constant 48 : i32
        %mul3A_111 = arith.muli %add3A_109, %mul3A_110 : i32
        %dma_start3A_112 = arith.constant 0 : i32
        %dma_start3A_113 = arith.constant 0 : i32
        %dma_start3A_114 = tpu.memref_slice %arg6[%rem3A_67, %dma_start3A_112, %dma_start3A_113] : memref<2x48x128xf32, #tpu.memory_space<vmem>> -> memref<1x48x128xf32, #tpu.memory_space<vmem>>
        %dma_start3A_115 = tpu.memref_squeeze %dma_start3A_114 : memref<1x48x128xf32, #tpu.memory_space<vmem>> -> memref<48x128xf32, #tpu.memory_space<vmem>>
        %dma_start3A_116 = tpu.memref_slice %arg5[%mul3A_111] : memref<1296xi32, #tpu.memory_space<vmem>> -> memref<48xi32, #tpu.memory_space<vmem>>
        %dma_start3A_117 = arith.constant 0 : i32
        %dma_start3A_118 = arith.constant 0 : i32
        %dma_start3A_119 = tpu.memref_slice %arg7[%dma_start3A_117, %dma_start3A_118] : memref<10000x128xf32, #tpu.memory_space<vmem_shared>> -> memref<10000x128xf32, #tpu.memory_space<vmem_shared>>
        tpu.enqueue_indirect_dma source(%dma_start3A_119 : memref<10000x128xf32, #tpu.memory_space<vmem_shared>>) target(%dma_start3A_115 : memref<48x128xf32, #tpu.memory_space<vmem>>) offsets(%dma_start3A_116 : memref<48xi32, #tpu.memory_space<vmem>>) semaphore(%arg8 : memref<!tpu.dma_semaphore, #tpu.memory_space<semaphore_mem>>)
      } else {
      }
      %mul3A_82 = arith.constant 48 : i32
      %mul3A_83 = arith.muli %scan3A_60, %mul3A_82 : i32
      %dma_wait3A_84 = arith.constant 0 : i32
      %dma_wait3A_85 = arith.constant 0 : i32
      %dma_wait3A_86 = tpu.memref_slice %arg6[%rem3A_63, %dma_wait3A_84, %dma_wait3A_85] : memref<2x48x128xf32, #tpu.memory_space<vmem>> -> memref<1x48x128xf32, #tpu.memory_space<vmem>>
      %dma_wait3A_87 = tpu.memref_squeeze %dma_wait3A_86 : memref<1x48x128xf32, #tpu.memory_space<vmem>> -> memref<48x128xf32, #tpu.memory_space<vmem>>
      %dma_wait3A_88 = tpu.memref_slice %arg5[%mul3A_83] : memref<1296xi32, #tpu.memory_space<vmem>> -> memref<48xi32, #tpu.memory_space<vmem>>
      %dma_wait3A_89 = arith.constant 0 : i32
      %dma_wait3A_90 = arith.constant 0 : i32
      %dma_wait3A_91 = tpu.memref_slice %arg7[%dma_wait3A_89, %dma_wait3A_90] : memref<10000x128xf32, #tpu.memory_space<vmem_shared>> -> memref<10000x128xf32, #tpu.memory_space<vmem_shared>>
      tpu.wait_indirect_dma semaphore(%arg8 : memref<!tpu.dma_semaphore, #tpu.memory_space<semaphore_mem>>) src(%dma_wait3A_91 : memref<10000x128xf32, #tpu.memory_space<vmem_shared>>) dst(%dma_wait3A_87 : memref<48x128xf32, #tpu.memory_space<vmem>>)
      %mul3A_92 = arith.constant 48 : i32
      %mul3A_93 = arith.muli %scan3A_60, %mul3A_92 : i32
      %add3A_94 = arith.addi %mul3A_2, %mul3A_93 : i32
      %dma_start3A_95 = arith.constant 0 : i32
      %dma_start3A_96 = arith.constant 0 : i32
      %dma_start3A_97 = tpu.memref_slice %arg6[%rem3A_63, %dma_start3A_95, %dma_start3A_96] : memref<2x48x128xf32, #tpu.memory_space<vmem>> -> memref<1x48x128xf32, #tpu.memory_space<vmem>>
      %dma_start3A_98 = tpu.memref_squeeze %dma_start3A_97 : memref<1x48x128xf32, #tpu.memory_space<vmem>> -> memref<48x128xf32, #tpu.memory_space<vmem>>
      %dma_start3A_99 = arith.constant 0 : i32
      %dma_start3A_100 = tpu.memref_slice %arg4[%add3A_94, %dma_start3A_99] : memref<41472x128xf32, #tpu.memory_space<hbm>> -> memref<48x128xf32, #tpu.memory_space<hbm>>
      %dma_start3A_101 = arith.constant 0 : i32
      %dma_start3A_102 = tpu.memref_slice %arg4[%add3A_94, %dma_start3A_101] : memref<41472x128xf32, #tpu.memory_space<hbm>> -> memref<48x128xf32, #tpu.memory_space<hbm>>
      %dma_start3A_103 = arith.constant 0 : i32
      %dma_start3A_104 = arith.constant 0 : i32
      %dma_start3A_105 = tpu.memref_slice %arg6[%rem3A_63, %dma_start3A_103, %dma_start3A_104] : memref<2x48x128xf32, #tpu.memory_space<vmem>> -> memref<1x48x128xf32, #tpu.memory_space<vmem>>
      %dma_start3A_106 = tpu.memref_squeeze %dma_start3A_105 : memref<1x48x128xf32, #tpu.memory_space<vmem>> -> memref<48x128xf32, #tpu.memory_space<vmem>>
      tpu.enqueue_dma source(%dma_start3A_106 : memref<48x128xf32, #tpu.memory_space<vmem>>) target(%dma_start3A_102 : memref<48x128xf32, #tpu.memory_space<hbm>>) target_semaphore(%arg9 : memref<!tpu.dma_semaphore, #tpu.memory_space<semaphore_mem>>)
      %scan3A_107 = arith.constant 0 : i32
      scf.yield %scan3A_107 : i32
    }
    %scan3A_27 = arith.constant 27 : i32
    %rem3A = arith.constant 25 : i32
    %rem3A_28 = arith.constant 2 : i32
    %rem3A_29 = arith.remsi %rem3A, %rem3A_28 : i32
    %add3A_30 = arith.constant 1200 : i32
    %add3A_31 = arith.addi %mul3A_2, %add3A_30 : i32
    %dma_wait3A = arith.constant 0 : i32
    %dma_wait3A_32 = arith.constant 0 : i32
    %dma_wait3A_33 = tpu.memref_slice %arg6[%rem3A_29, %dma_wait3A, %dma_wait3A_32] : memref<2x48x128xf32, #tpu.memory_space<vmem>> -> memref<1x48x128xf32, #tpu.memory_space<vmem>>
    %dma_wait3A_34 = tpu.memref_squeeze %dma_wait3A_33 : memref<1x48x128xf32, #tpu.memory_space<vmem>> -> memref<48x128xf32, #tpu.memory_space<vmem>>
    %dma_wait3A_35 = arith.constant 0 : i32
    %dma_wait3A_36 = tpu.memref_slice %arg4[%add3A_31, %dma_wait3A_35] : memref<41472x128xf32, #tpu.memory_space<hbm>> -> memref<48x128xf32, #tpu.memory_space<hbm>>
    %dma_wait3A_37 = arith.constant 0 : i32
    %dma_wait3A_38 = tpu.memref_slice %arg4[%add3A_31, %dma_wait3A_37] : memref<41472x128xf32, #tpu.memory_space<hbm>> -> memref<48x128xf32, #tpu.memory_space<hbm>>
    %dma_wait3A_39 = arith.constant 0 : i32
    %dma_wait3A_40 = arith.constant 0 : i32
    %dma_wait3A_41 = tpu.memref_slice %arg6[%rem3A_29, %dma_wait3A_39, %dma_wait3A_40] : memref<2x48x128xf32, #tpu.memory_space<vmem>> -> memref<1x48x128xf32, #tpu.memory_space<vmem>>
    %dma_wait3A_42 = tpu.memref_squeeze %dma_wait3A_41 : memref<1x48x128xf32, #tpu.memory_space<vmem>> -> memref<48x128xf32, #tpu.memory_space<vmem>>
    tpu.wait_dma2 semaphore(%arg9 : memref<!tpu.dma_semaphore, #tpu.memory_space<semaphore_mem>>) src(%dma_wait3A_42 : memref<48x128xf32, #tpu.memory_space<vmem>>) dst(%dma_wait3A_38 : memref<48x128xf32, #tpu.memory_space<hbm>>)
    %rem3A_43 = arith.constant 26 : i32
    %rem3A_44 = arith.constant 2 : i32
    %rem3A_45 = arith.remsi %rem3A_43, %rem3A_44 : i32
    %add3A_46 = arith.constant 1248 : i32
    %add3A_47 = arith.addi %mul3A_2, %add3A_46 : i32
    %dma_wait3A_48 = arith.constant 0 : i32
    %dma_wait3A_49 = arith.constant 0 : i32
    %dma_wait3A_50 = tpu.memref_slice %arg6[%rem3A_45, %dma_wait3A_48, %dma_wait3A_49] : memref<2x48x128xf32, #tpu.memory_space<vmem>> -> memref<1x48x128xf32, #tpu.memory_space<vmem>>
    %dma_wait3A_51 = tpu.memref_squeeze %dma_wait3A_50 : memref<1x48x128xf32, #tpu.memory_space<vmem>> -> memref<48x128xf32, #tpu.memory_space<vmem>>
    %dma_wait3A_52 = arith.constant 0 : i32
    %dma_wait3A_53 = tpu.memref_slice %arg4[%add3A_47, %dma_wait3A_52] : memref<41472x128xf32, #tpu.memory_space<hbm>> -> memref<48x128xf32, #tpu.memory_space<hbm>>
    %dma_wait3A_54 = arith.constant 0 : i32
    %dma_wait3A_55 = tpu.memref_slice %arg4[%add3A_47, %dma_wait3A_54] : memref<41472x128xf32, #tpu.memory_space<hbm>> -> memref<48x128xf32, #tpu.memory_space<hbm>>
    %dma_wait3A_56 = arith.constant 0 : i32
    %dma_wait3A_57 = arith.constant 0 : i32
    %dma_wait3A_58 = tpu.memref_slice %arg6[%rem3A_45, %dma_wait3A_56, %dma_wait3A_57] : memref<2x48x128xf32, #tpu.memory_space<vmem>> -> memref<1x48x128xf32, #tpu.memory_space<vmem>>
    %dma_wait3A_59 = tpu.memref_squeeze %dma_wait3A_58 : memref<1x48x128xf32, #tpu.memory_space<vmem>> -> memref<48x128xf32, #tpu.memory_space<vmem>>
    tpu.wait_dma2 semaphore(%arg9 : memref<!tpu.dma_semaphore, #tpu.memory_space<semaphore_mem>>) src(%dma_wait3A_59 : memref<48x128xf32, #tpu.memory_space<vmem>>) dst(%dma_wait3A_55 : memref<48x128xf32, #tpu.memory_space<hbm>>)
    return
  }
}

#map = affine_map<(d0, d1) -> (0, 0)>
#map1 = affine_map<(d0, d1) -> (0)>
module attributes {stable_mosaic.version = 14 : i64} {
  func.func @gather_k(%arg0: i32, %arg1: i32, %arg2: memref<10000x128xf32, #tpu.memory_space<hbm>>, %arg3: memref<320000xi32, #tpu.memory_space<hbm>>, %arg4: memref<98304x128xf32, #tpu.memory_space<hbm>>, %arg5: memref<3072xi32, #tpu.memory_space<vmem>>, %arg6: memref<2x128x128xf32, #tpu.memory_space<vmem>>, %arg7: memref<10000x128xf32, #tpu.memory_space<vmem_shared>>, %arg8: memref<!tpu.dma_semaphore, #tpu.memory_space<semaphore_mem>>, %arg9: memref<!tpu.dma_semaphore, #tpu.memory_space<semaphore_mem>>) attributes {dimension_semantics = [#tpu.dimension_semantics<core_parallel>, #tpu.dimension_semantics<subcore_parallel>], iteration_bounds = array<i64: 2, 16>, scalar_prefetch = 0 : i64, scratch_operands = 5 : i64, tpu.core_type = #tpu.core_type<sc_vector_subcore>, window_params = [{transform_indices = #map}, {transform_indices = #map1}, {transform_indices = #map}]} {
    %mul3A = arith.constant 2 : i32
    %mul3A_0 = arith.muli %arg1, %mul3A : i32
    %add3A = arith.addi %mul3A_0, %arg0 : i32
    %mul3A_1 = arith.constant 3072 : i32
    %mul3A_2 = arith.muli %add3A, %mul3A_1 : i32
    %mul3A_3 = arith.constant 624 : i32
    %mul3A_4 = arith.muli %arg1, %mul3A_3 : i32
    %mul3A_5 = arith.constant 624 : i32
    %mul3A_6 = arith.muli %arg1, %mul3A_5 : i32
    "tpu.region"() ({
      %run_scoped3A = tpu.sem_alloc : memref<!tpu.dma_semaphore, #tpu.memory_space<semaphore_mem>>
      %dma_start3A_60 = arith.constant 0 : i32
      %dma_start3A_61 = tpu.memref_slice %arg7[%mul3A_6, %dma_start3A_60] : memref<10000x128xf32, #tpu.memory_space<vmem_shared>> -> memref<624x128xf32, #tpu.memory_space<vmem_shared>>
      %dma_start3A_62 = arith.constant 0 : i32
      %dma_start3A_63 = tpu.memref_slice %arg2[%mul3A_4, %dma_start3A_62] : memref<10000x128xf32, #tpu.memory_space<hbm>> -> memref<624x128xf32, #tpu.memory_space<hbm>>
      tpu.enqueue_dma source(%dma_start3A_63 : memref<624x128xf32, #tpu.memory_space<hbm>>) target(%dma_start3A_61 : memref<624x128xf32, #tpu.memory_space<vmem_shared>>) target_semaphore(%run_scoped3A : memref<!tpu.dma_semaphore, #tpu.memory_space<semaphore_mem>>)
      %dma_wait3A_64 = arith.constant 0 : i32
      %dma_wait3A_65 = tpu.memref_slice %arg7[%mul3A_6, %dma_wait3A_64] : memref<10000x128xf32, #tpu.memory_space<vmem_shared>> -> memref<624x128xf32, #tpu.memory_space<vmem_shared>>
      %dma_wait3A_66 = arith.constant 0 : i32
      %dma_wait3A_67 = tpu.memref_slice %arg2[%mul3A_4, %dma_wait3A_66] : memref<10000x128xf32, #tpu.memory_space<hbm>> -> memref<624x128xf32, #tpu.memory_space<hbm>>
      tpu.wait_dma2 semaphore(%run_scoped3A : memref<!tpu.dma_semaphore, #tpu.memory_space<semaphore_mem>>) src(%dma_wait3A_67 : memref<624x128xf32, #tpu.memory_space<hbm>>) dst(%dma_wait3A_65 : memref<624x128xf32, #tpu.memory_space<vmem_shared>>)
      tpu.yield
    }) : () -> ()
    %eq3A = arith.constant 0 : i32
    %eq3A_7 = arith.cmpi eq, %arg1, %eq3A : i32
    %convert_element_type3A = arith.extui %eq3A_7 : i1 to i32
    %cond3A = arith.constant 0 : i32
    %cond3A_8 = arith.cmpi ne, %convert_element_type3A, %cond3A : i32
    scf.if %cond3A_8 {
      "tpu.region"() ({
        %run_scoped3A = tpu.sem_alloc : memref<!tpu.dma_semaphore, #tpu.memory_space<semaphore_mem>>
        %dma_start3A_60 = arith.constant 9984 : i32
        %dma_start3A_61 = arith.constant 0 : i32
        %dma_start3A_62 = tpu.memref_slice %arg7[%dma_start3A_60, %dma_start3A_61] : memref<10000x128xf32, #tpu.memory_space<vmem_shared>> -> memref<16x128xf32, #tpu.memory_space<vmem_shared>>
        %dma_start3A_63 = arith.constant 9984 : i32
        %dma_start3A_64 = arith.constant 0 : i32
        %dma_start3A_65 = tpu.memref_slice %arg2[%dma_start3A_63, %dma_start3A_64] : memref<10000x128xf32, #tpu.memory_space<hbm>> -> memref<16x128xf32, #tpu.memory_space<hbm>>
        tpu.enqueue_dma source(%dma_start3A_65 : memref<16x128xf32, #tpu.memory_space<hbm>>) target(%dma_start3A_62 : memref<16x128xf32, #tpu.memory_space<vmem_shared>>) target_semaphore(%run_scoped3A : memref<!tpu.dma_semaphore, #tpu.memory_space<semaphore_mem>>)
        %dma_wait3A_66 = arith.constant 9984 : i32
        %dma_wait3A_67 = arith.constant 0 : i32
        %dma_wait3A_68 = tpu.memref_slice %arg7[%dma_wait3A_66, %dma_wait3A_67] : memref<10000x128xf32, #tpu.memory_space<vmem_shared>> -> memref<16x128xf32, #tpu.memory_space<vmem_shared>>
        %dma_wait3A_69 = arith.constant 9984 : i32
        %dma_wait3A_70 = arith.constant 0 : i32
        %dma_wait3A_71 = tpu.memref_slice %arg2[%dma_wait3A_69, %dma_wait3A_70] : memref<10000x128xf32, #tpu.memory_space<hbm>> -> memref<16x128xf32, #tpu.memory_space<hbm>>
        tpu.wait_dma2 semaphore(%run_scoped3A : memref<!tpu.dma_semaphore, #tpu.memory_space<semaphore_mem>>) src(%dma_wait3A_71 : memref<16x128xf32, #tpu.memory_space<hbm>>) dst(%dma_wait3A_68 : memref<16x128xf32, #tpu.memory_space<vmem_shared>>)
        tpu.yield
      }) : () -> ()
    } else {
    }
    %mul3A_9 = arith.constant 10000 : i32
    %mul3A_10 = arith.muli %add3A, %mul3A_9 : i32
    %add3A_11 = arith.constant 5632 : i32
    %add3A_12 = arith.addi %mul3A_10, %add3A_11 : i32
    "tpu.region"() ({
      %run_scoped3A = tpu.sem_alloc : memref<!tpu.dma_semaphore, #tpu.memory_space<semaphore_mem>>
      %dma_start3A_60 = tpu.memref_slice %arg3[%add3A_12] : memref<320000xi32, #tpu.memory_space<hbm>> -> memref<3072xi32, #tpu.memory_space<hbm>>
      %dma_start3A_61 = tpu.memref_slice %arg3[%add3A_12] : memref<320000xi32, #tpu.memory_space<hbm>> -> memref<3072xi32, #tpu.memory_space<hbm>>
      tpu.enqueue_dma source(%dma_start3A_61 : memref<3072xi32, #tpu.memory_space<hbm>>) target(%arg5 : memref<3072xi32, #tpu.memory_space<vmem>>) target_semaphore(%run_scoped3A : memref<!tpu.dma_semaphore, #tpu.memory_space<semaphore_mem>>)
      %dma_wait3A_62 = tpu.memref_slice %arg3[%add3A_12] : memref<320000xi32, #tpu.memory_space<hbm>> -> memref<3072xi32, #tpu.memory_space<hbm>>
      %dma_wait3A_63 = tpu.memref_slice %arg3[%add3A_12] : memref<320000xi32, #tpu.memory_space<hbm>> -> memref<3072xi32, #tpu.memory_space<hbm>>
      tpu.wait_dma2 semaphore(%run_scoped3A : memref<!tpu.dma_semaphore, #tpu.memory_space<semaphore_mem>>) src(%dma_wait3A_63 : memref<3072xi32, #tpu.memory_space<hbm>>) dst(%arg5 : memref<3072xi32, #tpu.memory_space<vmem>>)
      tpu.yield
    }) : () -> ()
    %barrier3A = arith.constant 0 : index
    tpu.barrier barrier_id(%barrier3A)
    %dma_start3A = arith.constant 0 : i32
    %dma_start3A_13 = arith.constant 0 : i32
    %dma_start3A_14 = arith.constant 0 : i32
    %dma_start3A_15 = tpu.memref_slice %arg6[%dma_start3A, %dma_start3A_13, %dma_start3A_14] : memref<2x128x128xf32, #tpu.memory_space<vmem>> -> memref<1x128x128xf32, #tpu.memory_space<vmem>>
    %dma_start3A_16 = tpu.memref_squeeze %dma_start3A_15 : memref<1x128x128xf32, #tpu.memory_space<vmem>> -> memref<128x128xf32, #tpu.memory_space<vmem>>
    %dma_start3A_17 = arith.constant 0 : i32
    %dma_start3A_18 = tpu.memref_slice %arg5[%dma_start3A_17] : memref<3072xi32, #tpu.memory_space<vmem>> -> memref<128xi32, #tpu.memory_space<vmem>>
    %dma_start3A_19 = arith.constant 0 : i32
    %dma_start3A_20 = arith.constant 0 : i32
    %dma_start3A_21 = tpu.memref_slice %arg7[%dma_start3A_19, %dma_start3A_20] : memref<10000x128xf32, #tpu.memory_space<vmem_shared>> -> memref<10000x128xf32, #tpu.memory_space<vmem_shared>>
    tpu.enqueue_indirect_dma source(%dma_start3A_21 : memref<10000x128xf32, #tpu.memory_space<vmem_shared>>) target(%dma_start3A_16 : memref<128x128xf32, #tpu.memory_space<vmem>>) offsets(%dma_start3A_18 : memref<128xi32, #tpu.memory_space<vmem>>) semaphore(%arg8 : memref<!tpu.dma_semaphore, #tpu.memory_space<semaphore_mem>>)
    %scan3A = arith.constant 0 : i32
    %scan3A_22 = arith.constant 0 : i32
    %scan3A_23 = arith.constant 24 : i32
    %scan3A_24 = arith.addi %scan3A_22, %scan3A_23 : i32
    %scan3A_25 = arith.constant 1 : i32
    %scan3A_26 = scf.for %scan3A_60 = %scan3A_22 to %scan3A_24 step %scan3A_25 iter_args(%scan3A_61 = %scan3A) -> (i32)  : i32 {
      %rem3A_62 = arith.constant 2 : i32
      %rem3A_63 = arith.remsi %scan3A_60, %rem3A_62 : i32
      %add3A_64 = arith.constant 1 : i32
      %add3A_65 = arith.addi %scan3A_60, %add3A_64 : i32
      %rem3A_66 = arith.constant 2 : i32
      %rem3A_67 = arith.remsi %add3A_65, %rem3A_66 : i32
      %add3A_68 = arith.constant 1 : i32
      %add3A_69 = arith.addi %scan3A_60, %add3A_68 : i32
      %lt3A = arith.constant 24 : i32
      %lt3A_70 = arith.cmpi slt, %add3A_69, %lt3A : i32
      %ge3A = arith.constant 1 : i32
      %ge3A_71 = arith.cmpi sge, %scan3A_60, %ge3A : i32
      %and3A = arith.andi %lt3A_70, %ge3A_71 : i1
      %convert_element_type3A_72 = arith.extui %and3A : i1 to i32
      %cond3A_73 = arith.constant 0 : i32
      %cond3A_74 = arith.cmpi ne, %convert_element_type3A_72, %cond3A_73 : i32
      scf.if %cond3A_74 {
        %sub3A = arith.constant 1 : i32
        %sub3A_108 = arith.subi %scan3A_60, %sub3A : i32
        %mul3A_109 = arith.constant 128 : i32
        %mul3A_110 = arith.muli %sub3A_108, %mul3A_109 : i32
        %add3A_111 = arith.addi %mul3A_2, %mul3A_110 : i32
        %dma_wait3A_112 = arith.constant 0 : i32
        %dma_wait3A_113 = arith.constant 0 : i32
        %dma_wait3A_114 = tpu.memref_slice %arg6[%rem3A_67, %dma_wait3A_112, %dma_wait3A_113] : memref<2x128x128xf32, #tpu.memory_space<vmem>> -> memref<1x128x128xf32, #tpu.memory_space<vmem>>
        %dma_wait3A_115 = tpu.memref_squeeze %dma_wait3A_114 : memref<1x128x128xf32, #tpu.memory_space<vmem>> -> memref<128x128xf32, #tpu.memory_space<vmem>>
        %dma_wait3A_116 = arith.constant 0 : i32
        %dma_wait3A_117 = tpu.memref_slice %arg4[%add3A_111, %dma_wait3A_116] : memref<98304x128xf32, #tpu.memory_space<hbm>> -> memref<128x128xf32, #tpu.memory_space<hbm>>
        %dma_wait3A_118 = arith.constant 0 : i32
        %dma_wait3A_119 = tpu.memref_slice %arg4[%add3A_111, %dma_wait3A_118] : memref<98304x128xf32, #tpu.memory_space<hbm>> -> memref<128x128xf32, #tpu.memory_space<hbm>>
        %dma_wait3A_120 = arith.constant 0 : i32
        %dma_wait3A_121 = arith.constant 0 : i32
        %dma_wait3A_122 = tpu.memref_slice %arg6[%rem3A_67, %dma_wait3A_120, %dma_wait3A_121] : memref<2x128x128xf32, #tpu.memory_space<vmem>> -> memref<1x128x128xf32, #tpu.memory_space<vmem>>
        %dma_wait3A_123 = tpu.memref_squeeze %dma_wait3A_122 : memref<1x128x128xf32, #tpu.memory_space<vmem>> -> memref<128x128xf32, #tpu.memory_space<vmem>>
        tpu.wait_dma2 semaphore(%arg9 : memref<!tpu.dma_semaphore, #tpu.memory_space<semaphore_mem>>) src(%dma_wait3A_123 : memref<128x128xf32, #tpu.memory_space<vmem>>) dst(%dma_wait3A_119 : memref<128x128xf32, #tpu.memory_space<hbm>>)
      } else {
      }
      %add3A_75 = arith.constant 1 : i32
      %add3A_76 = arith.addi %scan3A_60, %add3A_75 : i32
      %lt3A_77 = arith.constant 24 : i32
      %lt3A_78 = arith.cmpi slt, %add3A_76, %lt3A_77 : i32
      %convert_element_type3A_79 = arith.extui %lt3A_78 : i1 to i32
      %cond3A_80 = arith.constant 0 : i32
      %cond3A_81 = arith.cmpi ne, %convert_element_type3A_79, %cond3A_80 : i32
      scf.if %cond3A_81 {
        %add3A_108 = arith.constant 1 : i32
        %add3A_109 = arith.addi %scan3A_60, %add3A_108 : i32
        %mul3A_110 = arith.constant 128 : i32
        %mul3A_111 = arith.muli %add3A_109, %mul3A_110 : i32
        %dma_start3A_112 = arith.constant 0 : i32
        %dma_start3A_113 = arith.constant 0 : i32
        %dma_start3A_114 = tpu.memref_slice %arg6[%rem3A_67, %dma_start3A_112, %dma_start3A_113] : memref<2x128x128xf32, #tpu.memory_space<vmem>> -> memref<1x128x128xf32, #tpu.memory_space<vmem>>
        %dma_start3A_115 = tpu.memref_squeeze %dma_start3A_114 : memref<1x128x128xf32, #tpu.memory_space<vmem>> -> memref<128x128xf32, #tpu.memory_space<vmem>>
        %dma_start3A_116 = tpu.memref_slice %arg5[%mul3A_111] : memref<3072xi32, #tpu.memory_space<vmem>> -> memref<128xi32, #tpu.memory_space<vmem>>
        %dma_start3A_117 = arith.constant 0 : i32
        %dma_start3A_118 = arith.constant 0 : i32
        %dma_start3A_119 = tpu.memref_slice %arg7[%dma_start3A_117, %dma_start3A_118] : memref<10000x128xf32, #tpu.memory_space<vmem_shared>> -> memref<10000x128xf32, #tpu.memory_space<vmem_shared>>
        tpu.enqueue_indirect_dma source(%dma_start3A_119 : memref<10000x128xf32, #tpu.memory_space<vmem_shared>>) target(%dma_start3A_115 : memref<128x128xf32, #tpu.memory_space<vmem>>) offsets(%dma_start3A_116 : memref<128xi32, #tpu.memory_space<vmem>>) semaphore(%arg8 : memref<!tpu.dma_semaphore, #tpu.memory_space<semaphore_mem>>)
      } else {
      }
      %mul3A_82 = arith.constant 128 : i32
      %mul3A_83 = arith.muli %scan3A_60, %mul3A_82 : i32
      %dma_wait3A_84 = arith.constant 0 : i32
      %dma_wait3A_85 = arith.constant 0 : i32
      %dma_wait3A_86 = tpu.memref_slice %arg6[%rem3A_63, %dma_wait3A_84, %dma_wait3A_85] : memref<2x128x128xf32, #tpu.memory_space<vmem>> -> memref<1x128x128xf32, #tpu.memory_space<vmem>>
      %dma_wait3A_87 = tpu.memref_squeeze %dma_wait3A_86 : memref<1x128x128xf32, #tpu.memory_space<vmem>> -> memref<128x128xf32, #tpu.memory_space<vmem>>
      %dma_wait3A_88 = tpu.memref_slice %arg5[%mul3A_83] : memref<3072xi32, #tpu.memory_space<vmem>> -> memref<128xi32, #tpu.memory_space<vmem>>
      %dma_wait3A_89 = arith.constant 0 : i32
      %dma_wait3A_90 = arith.constant 0 : i32
      %dma_wait3A_91 = tpu.memref_slice %arg7[%dma_wait3A_89, %dma_wait3A_90] : memref<10000x128xf32, #tpu.memory_space<vmem_shared>> -> memref<10000x128xf32, #tpu.memory_space<vmem_shared>>
      tpu.wait_indirect_dma semaphore(%arg8 : memref<!tpu.dma_semaphore, #tpu.memory_space<semaphore_mem>>) src(%dma_wait3A_91 : memref<10000x128xf32, #tpu.memory_space<vmem_shared>>) dst(%dma_wait3A_87 : memref<128x128xf32, #tpu.memory_space<vmem>>)
      %mul3A_92 = arith.constant 128 : i32
      %mul3A_93 = arith.muli %scan3A_60, %mul3A_92 : i32
      %add3A_94 = arith.addi %mul3A_2, %mul3A_93 : i32
      %dma_start3A_95 = arith.constant 0 : i32
      %dma_start3A_96 = arith.constant 0 : i32
      %dma_start3A_97 = tpu.memref_slice %arg6[%rem3A_63, %dma_start3A_95, %dma_start3A_96] : memref<2x128x128xf32, #tpu.memory_space<vmem>> -> memref<1x128x128xf32, #tpu.memory_space<vmem>>
      %dma_start3A_98 = tpu.memref_squeeze %dma_start3A_97 : memref<1x128x128xf32, #tpu.memory_space<vmem>> -> memref<128x128xf32, #tpu.memory_space<vmem>>
      %dma_start3A_99 = arith.constant 0 : i32
      %dma_start3A_100 = tpu.memref_slice %arg4[%add3A_94, %dma_start3A_99] : memref<98304x128xf32, #tpu.memory_space<hbm>> -> memref<128x128xf32, #tpu.memory_space<hbm>>
      %dma_start3A_101 = arith.constant 0 : i32
      %dma_start3A_102 = tpu.memref_slice %arg4[%add3A_94, %dma_start3A_101] : memref<98304x128xf32, #tpu.memory_space<hbm>> -> memref<128x128xf32, #tpu.memory_space<hbm>>
      %dma_start3A_103 = arith.constant 0 : i32
      %dma_start3A_104 = arith.constant 0 : i32
      %dma_start3A_105 = tpu.memref_slice %arg6[%rem3A_63, %dma_start3A_103, %dma_start3A_104] : memref<2x128x128xf32, #tpu.memory_space<vmem>> -> memref<1x128x128xf32, #tpu.memory_space<vmem>>
      %dma_start3A_106 = tpu.memref_squeeze %dma_start3A_105 : memref<1x128x128xf32, #tpu.memory_space<vmem>> -> memref<128x128xf32, #tpu.memory_space<vmem>>
      tpu.enqueue_dma source(%dma_start3A_106 : memref<128x128xf32, #tpu.memory_space<vmem>>) target(%dma_start3A_102 : memref<128x128xf32, #tpu.memory_space<hbm>>) target_semaphore(%arg9 : memref<!tpu.dma_semaphore, #tpu.memory_space<semaphore_mem>>)
      %scan3A_107 = arith.constant 0 : i32
      scf.yield %scan3A_107 : i32
    }
    %scan3A_27 = arith.constant 24 : i32
    %rem3A = arith.constant 22 : i32
    %rem3A_28 = arith.constant 2 : i32
    %rem3A_29 = arith.remsi %rem3A, %rem3A_28 : i32
    %add3A_30 = arith.constant 2816 : i32
    %add3A_31 = arith.addi %mul3A_2, %add3A_30 : i32
    %dma_wait3A = arith.constant 0 : i32
    %dma_wait3A_32 = arith.constant 0 : i32
    %dma_wait3A_33 = tpu.memref_slice %arg6[%rem3A_29, %dma_wait3A, %dma_wait3A_32] : memref<2x128x128xf32, #tpu.memory_space<vmem>> -> memref<1x128x128xf32, #tpu.memory_space<vmem>>
    %dma_wait3A_34 = tpu.memref_squeeze %dma_wait3A_33 : memref<1x128x128xf32, #tpu.memory_space<vmem>> -> memref<128x128xf32, #tpu.memory_space<vmem>>
    %dma_wait3A_35 = arith.constant 0 : i32
    %dma_wait3A_36 = tpu.memref_slice %arg4[%add3A_31, %dma_wait3A_35] : memref<98304x128xf32, #tpu.memory_space<hbm>> -> memref<128x128xf32, #tpu.memory_space<hbm>>
    %dma_wait3A_37 = arith.constant 0 : i32
    %dma_wait3A_38 = tpu.memref_slice %arg4[%add3A_31, %dma_wait3A_37] : memref<98304x128xf32, #tpu.memory_space<hbm>> -> memref<128x128xf32, #tpu.memory_space<hbm>>
    %dma_wait3A_39 = arith.constant 0 : i32
    %dma_wait3A_40 = arith.constant 0 : i32
    %dma_wait3A_41 = tpu.memref_slice %arg6[%rem3A_29, %dma_wait3A_39, %dma_wait3A_40] : memref<2x128x128xf32, #tpu.memory_space<vmem>> -> memref<1x128x128xf32, #tpu.memory_space<vmem>>
    %dma_wait3A_42 = tpu.memref_squeeze %dma_wait3A_41 : memref<1x128x128xf32, #tpu.memory_space<vmem>> -> memref<128x128xf32, #tpu.memory_space<vmem>>
    tpu.wait_dma2 semaphore(%arg9 : memref<!tpu.dma_semaphore, #tpu.memory_space<semaphore_mem>>) src(%dma_wait3A_42 : memref<128x128xf32, #tpu.memory_space<vmem>>) dst(%dma_wait3A_38 : memref<128x128xf32, #tpu.memory_space<hbm>>)
    %rem3A_43 = arith.constant 23 : i32
    %rem3A_44 = arith.constant 2 : i32
    %rem3A_45 = arith.remsi %rem3A_43, %rem3A_44 : i32
    %add3A_46 = arith.constant 2944 : i32
    %add3A_47 = arith.addi %mul3A_2, %add3A_46 : i32
    %dma_wait3A_48 = arith.constant 0 : i32
    %dma_wait3A_49 = arith.constant 0 : i32
    %dma_wait3A_50 = tpu.memref_slice %arg6[%rem3A_45, %dma_wait3A_48, %dma_wait3A_49] : memref<2x128x128xf32, #tpu.memory_space<vmem>> -> memref<1x128x128xf32, #tpu.memory_space<vmem>>
    %dma_wait3A_51 = tpu.memref_squeeze %dma_wait3A_50 : memref<1x128x128xf32, #tpu.memory_space<vmem>> -> memref<128x128xf32, #tpu.memory_space<vmem>>
    %dma_wait3A_52 = arith.constant 0 : i32
    %dma_wait3A_53 = tpu.memref_slice %arg4[%add3A_47, %dma_wait3A_52] : memref<98304x128xf32, #tpu.memory_space<hbm>> -> memref<128x128xf32, #tpu.memory_space<hbm>>
    %dma_wait3A_54 = arith.constant 0 : i32
    %dma_wait3A_55 = tpu.memref_slice %arg4[%add3A_47, %dma_wait3A_54] : memref<98304x128xf32, #tpu.memory_space<hbm>> -> memref<128x128xf32, #tpu.memory_space<hbm>>
    %dma_wait3A_56 = arith.constant 0 : i32
    %dma_wait3A_57 = arith.constant 0 : i32
    %dma_wait3A_58 = tpu.memref_slice %arg6[%rem3A_45, %dma_wait3A_56, %dma_wait3A_57] : memref<2x128x128xf32, #tpu.memory_space<vmem>> -> memref<1x128x128xf32, #tpu.memory_space<vmem>>
    %dma_wait3A_59 = tpu.memref_squeeze %dma_wait3A_58 : memref<1x128x128xf32, #tpu.memory_space<vmem>> -> memref<128x128xf32, #tpu.memory_space<vmem>>
    tpu.wait_dma2 semaphore(%arg9 : memref<!tpu.dma_semaphore, #tpu.memory_space<semaphore_mem>>) src(%dma_wait3A_59 : memref<128x128xf32, #tpu.memory_space<vmem>>) dst(%dma_wait3A_55 : memref<128x128xf32, #tpu.memory_space<hbm>>)
    return
  }
}

#map = affine_map<(d0, d1) -> (0, 0)>
#map1 = affine_map<(d0, d1) -> (0)>
module attributes {stable_mosaic.version = 14 : i64} {
  func.func @gather_k(%arg0: i32, %arg1: i32, %arg2: memref<10000x128xf32, #tpu.memory_space<hbm>>, %arg3: memref<320000xi32, #tpu.memory_space<hbm>>, %arg4: memref<90112x128xf32, #tpu.memory_space<hbm>>, %arg5: memref<2816xi32, #tpu.memory_space<vmem>>, %arg6: memref<2x128x128xf32, #tpu.memory_space<vmem>>, %arg7: memref<10000x128xf32, #tpu.memory_space<vmem_shared>>, %arg8: memref<!tpu.dma_semaphore, #tpu.memory_space<semaphore_mem>>, %arg9: memref<!tpu.dma_semaphore, #tpu.memory_space<semaphore_mem>>) attributes {dimension_semantics = [#tpu.dimension_semantics<core_parallel>, #tpu.dimension_semantics<subcore_parallel>], iteration_bounds = array<i64: 2, 16>, scalar_prefetch = 0 : i64, scratch_operands = 5 : i64, tpu.core_type = #tpu.core_type<sc_vector_subcore>, window_params = [{transform_indices = #map}, {transform_indices = #map1}, {transform_indices = #map}]} {
    %mul3A = arith.constant 2 : i32
    %mul3A_0 = arith.muli %arg1, %mul3A : i32
    %add3A = arith.addi %mul3A_0, %arg0 : i32
    %mul3A_1 = arith.constant 2816 : i32
    %mul3A_2 = arith.muli %add3A, %mul3A_1 : i32
    %mul3A_3 = arith.constant 624 : i32
    %mul3A_4 = arith.muli %arg1, %mul3A_3 : i32
    %mul3A_5 = arith.constant 624 : i32
    %mul3A_6 = arith.muli %arg1, %mul3A_5 : i32
    "tpu.region"() ({
      %run_scoped3A = tpu.sem_alloc : memref<!tpu.dma_semaphore, #tpu.memory_space<semaphore_mem>>
      %dma_start3A_60 = arith.constant 0 : i32
      %dma_start3A_61 = tpu.memref_slice %arg7[%mul3A_6, %dma_start3A_60] : memref<10000x128xf32, #tpu.memory_space<vmem_shared>> -> memref<624x128xf32, #tpu.memory_space<vmem_shared>>
      %dma_start3A_62 = arith.constant 0 : i32
      %dma_start3A_63 = tpu.memref_slice %arg2[%mul3A_4, %dma_start3A_62] : memref<10000x128xf32, #tpu.memory_space<hbm>> -> memref<624x128xf32, #tpu.memory_space<hbm>>
      tpu.enqueue_dma source(%dma_start3A_63 : memref<624x128xf32, #tpu.memory_space<hbm>>) target(%dma_start3A_61 : memref<624x128xf32, #tpu.memory_space<vmem_shared>>) target_semaphore(%run_scoped3A : memref<!tpu.dma_semaphore, #tpu.memory_space<semaphore_mem>>)
      %dma_wait3A_64 = arith.constant 0 : i32
      %dma_wait3A_65 = tpu.memref_slice %arg7[%mul3A_6, %dma_wait3A_64] : memref<10000x128xf32, #tpu.memory_space<vmem_shared>> -> memref<624x128xf32, #tpu.memory_space<vmem_shared>>
      %dma_wait3A_66 = arith.constant 0 : i32
      %dma_wait3A_67 = tpu.memref_slice %arg2[%mul3A_4, %dma_wait3A_66] : memref<10000x128xf32, #tpu.memory_space<hbm>> -> memref<624x128xf32, #tpu.memory_space<hbm>>
      tpu.wait_dma2 semaphore(%run_scoped3A : memref<!tpu.dma_semaphore, #tpu.memory_space<semaphore_mem>>) src(%dma_wait3A_67 : memref<624x128xf32, #tpu.memory_space<hbm>>) dst(%dma_wait3A_65 : memref<624x128xf32, #tpu.memory_space<vmem_shared>>)
      tpu.yield
    }) : () -> ()
    %eq3A = arith.constant 0 : i32
    %eq3A_7 = arith.cmpi eq, %arg1, %eq3A : i32
    %convert_element_type3A = arith.extui %eq3A_7 : i1 to i32
    %cond3A = arith.constant 0 : i32
    %cond3A_8 = arith.cmpi ne, %convert_element_type3A, %cond3A : i32
    scf.if %cond3A_8 {
      "tpu.region"() ({
        %run_scoped3A = tpu.sem_alloc : memref<!tpu.dma_semaphore, #tpu.memory_space<semaphore_mem>>
        %dma_start3A_60 = arith.constant 9984 : i32
        %dma_start3A_61 = arith.constant 0 : i32
        %dma_start3A_62 = tpu.memref_slice %arg7[%dma_start3A_60, %dma_start3A_61] : memref<10000x128xf32, #tpu.memory_space<vmem_shared>> -> memref<16x128xf32, #tpu.memory_space<vmem_shared>>
        %dma_start3A_63 = arith.constant 9984 : i32
        %dma_start3A_64 = arith.constant 0 : i32
        %dma_start3A_65 = tpu.memref_slice %arg2[%dma_start3A_63, %dma_start3A_64] : memref<10000x128xf32, #tpu.memory_space<hbm>> -> memref<16x128xf32, #tpu.memory_space<hbm>>
        tpu.enqueue_dma source(%dma_start3A_65 : memref<16x128xf32, #tpu.memory_space<hbm>>) target(%dma_start3A_62 : memref<16x128xf32, #tpu.memory_space<vmem_shared>>) target_semaphore(%run_scoped3A : memref<!tpu.dma_semaphore, #tpu.memory_space<semaphore_mem>>)
        %dma_wait3A_66 = arith.constant 9984 : i32
        %dma_wait3A_67 = arith.constant 0 : i32
        %dma_wait3A_68 = tpu.memref_slice %arg7[%dma_wait3A_66, %dma_wait3A_67] : memref<10000x128xf32, #tpu.memory_space<vmem_shared>> -> memref<16x128xf32, #tpu.memory_space<vmem_shared>>
        %dma_wait3A_69 = arith.constant 9984 : i32
        %dma_wait3A_70 = arith.constant 0 : i32
        %dma_wait3A_71 = tpu.memref_slice %arg2[%dma_wait3A_69, %dma_wait3A_70] : memref<10000x128xf32, #tpu.memory_space<hbm>> -> memref<16x128xf32, #tpu.memory_space<hbm>>
        tpu.wait_dma2 semaphore(%run_scoped3A : memref<!tpu.dma_semaphore, #tpu.memory_space<semaphore_mem>>) src(%dma_wait3A_71 : memref<16x128xf32, #tpu.memory_space<hbm>>) dst(%dma_wait3A_68 : memref<16x128xf32, #tpu.memory_space<vmem_shared>>)
        tpu.yield
      }) : () -> ()
    } else {
    }
    %mul3A_9 = arith.constant 10000 : i32
    %mul3A_10 = arith.muli %add3A, %mul3A_9 : i32
    %add3A_11 = arith.constant 2816 : i32
    %add3A_12 = arith.addi %mul3A_10, %add3A_11 : i32
    "tpu.region"() ({
      %run_scoped3A = tpu.sem_alloc : memref<!tpu.dma_semaphore, #tpu.memory_space<semaphore_mem>>
      %dma_start3A_60 = tpu.memref_slice %arg3[%add3A_12] : memref<320000xi32, #tpu.memory_space<hbm>> -> memref<2816xi32, #tpu.memory_space<hbm>>
      %dma_start3A_61 = tpu.memref_slice %arg3[%add3A_12] : memref<320000xi32, #tpu.memory_space<hbm>> -> memref<2816xi32, #tpu.memory_space<hbm>>
      tpu.enqueue_dma source(%dma_start3A_61 : memref<2816xi32, #tpu.memory_space<hbm>>) target(%arg5 : memref<2816xi32, #tpu.memory_space<vmem>>) target_semaphore(%run_scoped3A : memref<!tpu.dma_semaphore, #tpu.memory_space<semaphore_mem>>)
      %dma_wait3A_62 = tpu.memref_slice %arg3[%add3A_12] : memref<320000xi32, #tpu.memory_space<hbm>> -> memref<2816xi32, #tpu.memory_space<hbm>>
      %dma_wait3A_63 = tpu.memref_slice %arg3[%add3A_12] : memref<320000xi32, #tpu.memory_space<hbm>> -> memref<2816xi32, #tpu.memory_space<hbm>>
      tpu.wait_dma2 semaphore(%run_scoped3A : memref<!tpu.dma_semaphore, #tpu.memory_space<semaphore_mem>>) src(%dma_wait3A_63 : memref<2816xi32, #tpu.memory_space<hbm>>) dst(%arg5 : memref<2816xi32, #tpu.memory_space<vmem>>)
      tpu.yield
    }) : () -> ()
    %barrier3A = arith.constant 0 : index
    tpu.barrier barrier_id(%barrier3A)
    %dma_start3A = arith.constant 0 : i32
    %dma_start3A_13 = arith.constant 0 : i32
    %dma_start3A_14 = arith.constant 0 : i32
    %dma_start3A_15 = tpu.memref_slice %arg6[%dma_start3A, %dma_start3A_13, %dma_start3A_14] : memref<2x128x128xf32, #tpu.memory_space<vmem>> -> memref<1x128x128xf32, #tpu.memory_space<vmem>>
    %dma_start3A_16 = tpu.memref_squeeze %dma_start3A_15 : memref<1x128x128xf32, #tpu.memory_space<vmem>> -> memref<128x128xf32, #tpu.memory_space<vmem>>
    %dma_start3A_17 = arith.constant 0 : i32
    %dma_start3A_18 = tpu.memref_slice %arg5[%dma_start3A_17] : memref<2816xi32, #tpu.memory_space<vmem>> -> memref<128xi32, #tpu.memory_space<vmem>>
    %dma_start3A_19 = arith.constant 0 : i32
    %dma_start3A_20 = arith.constant 0 : i32
    %dma_start3A_21 = tpu.memref_slice %arg7[%dma_start3A_19, %dma_start3A_20] : memref<10000x128xf32, #tpu.memory_space<vmem_shared>> -> memref<10000x128xf32, #tpu.memory_space<vmem_shared>>
    tpu.enqueue_indirect_dma source(%dma_start3A_21 : memref<10000x128xf32, #tpu.memory_space<vmem_shared>>) target(%dma_start3A_16 : memref<128x128xf32, #tpu.memory_space<vmem>>) offsets(%dma_start3A_18 : memref<128xi32, #tpu.memory_space<vmem>>) semaphore(%arg8 : memref<!tpu.dma_semaphore, #tpu.memory_space<semaphore_mem>>)
    %scan3A = arith.constant 0 : i32
    %scan3A_22 = arith.constant 0 : i32
    %scan3A_23 = arith.constant 22 : i32
    %scan3A_24 = arith.addi %scan3A_22, %scan3A_23 : i32
    %scan3A_25 = arith.constant 1 : i32
    %scan3A_26 = scf.for %scan3A_60 = %scan3A_22 to %scan3A_24 step %scan3A_25 iter_args(%scan3A_61 = %scan3A) -> (i32)  : i32 {
      %rem3A_62 = arith.constant 2 : i32
      %rem3A_63 = arith.remsi %scan3A_60, %rem3A_62 : i32
      %add3A_64 = arith.constant 1 : i32
      %add3A_65 = arith.addi %scan3A_60, %add3A_64 : i32
      %rem3A_66 = arith.constant 2 : i32
      %rem3A_67 = arith.remsi %add3A_65, %rem3A_66 : i32
      %add3A_68 = arith.constant 1 : i32
      %add3A_69 = arith.addi %scan3A_60, %add3A_68 : i32
      %lt3A = arith.constant 22 : i32
      %lt3A_70 = arith.cmpi slt, %add3A_69, %lt3A : i32
      %ge3A = arith.constant 1 : i32
      %ge3A_71 = arith.cmpi sge, %scan3A_60, %ge3A : i32
      %and3A = arith.andi %lt3A_70, %ge3A_71 : i1
      %convert_element_type3A_72 = arith.extui %and3A : i1 to i32
      %cond3A_73 = arith.constant 0 : i32
      %cond3A_74 = arith.cmpi ne, %convert_element_type3A_72, %cond3A_73 : i32
      scf.if %cond3A_74 {
        %sub3A = arith.constant 1 : i32
        %sub3A_108 = arith.subi %scan3A_60, %sub3A : i32
        %mul3A_109 = arith.constant 128 : i32
        %mul3A_110 = arith.muli %sub3A_108, %mul3A_109 : i32
        %add3A_111 = arith.addi %mul3A_2, %mul3A_110 : i32
        %dma_wait3A_112 = arith.constant 0 : i32
        %dma_wait3A_113 = arith.constant 0 : i32
        %dma_wait3A_114 = tpu.memref_slice %arg6[%rem3A_67, %dma_wait3A_112, %dma_wait3A_113] : memref<2x128x128xf32, #tpu.memory_space<vmem>> -> memref<1x128x128xf32, #tpu.memory_space<vmem>>
        %dma_wait3A_115 = tpu.memref_squeeze %dma_wait3A_114 : memref<1x128x128xf32, #tpu.memory_space<vmem>> -> memref<128x128xf32, #tpu.memory_space<vmem>>
        %dma_wait3A_116 = arith.constant 0 : i32
        %dma_wait3A_117 = tpu.memref_slice %arg4[%add3A_111, %dma_wait3A_116] : memref<90112x128xf32, #tpu.memory_space<hbm>> -> memref<128x128xf32, #tpu.memory_space<hbm>>
        %dma_wait3A_118 = arith.constant 0 : i32
        %dma_wait3A_119 = tpu.memref_slice %arg4[%add3A_111, %dma_wait3A_118] : memref<90112x128xf32, #tpu.memory_space<hbm>> -> memref<128x128xf32, #tpu.memory_space<hbm>>
        %dma_wait3A_120 = arith.constant 0 : i32
        %dma_wait3A_121 = arith.constant 0 : i32
        %dma_wait3A_122 = tpu.memref_slice %arg6[%rem3A_67, %dma_wait3A_120, %dma_wait3A_121] : memref<2x128x128xf32, #tpu.memory_space<vmem>> -> memref<1x128x128xf32, #tpu.memory_space<vmem>>
        %dma_wait3A_123 = tpu.memref_squeeze %dma_wait3A_122 : memref<1x128x128xf32, #tpu.memory_space<vmem>> -> memref<128x128xf32, #tpu.memory_space<vmem>>
        tpu.wait_dma2 semaphore(%arg9 : memref<!tpu.dma_semaphore, #tpu.memory_space<semaphore_mem>>) src(%dma_wait3A_123 : memref<128x128xf32, #tpu.memory_space<vmem>>) dst(%dma_wait3A_119 : memref<128x128xf32, #tpu.memory_space<hbm>>)
      } else {
      }
      %add3A_75 = arith.constant 1 : i32
      %add3A_76 = arith.addi %scan3A_60, %add3A_75 : i32
      %lt3A_77 = arith.constant 22 : i32
      %lt3A_78 = arith.cmpi slt, %add3A_76, %lt3A_77 : i32
      %convert_element_type3A_79 = arith.extui %lt3A_78 : i1 to i32
      %cond3A_80 = arith.constant 0 : i32
      %cond3A_81 = arith.cmpi ne, %convert_element_type3A_79, %cond3A_80 : i32
      scf.if %cond3A_81 {
        %add3A_108 = arith.constant 1 : i32
        %add3A_109 = arith.addi %scan3A_60, %add3A_108 : i32
        %mul3A_110 = arith.constant 128 : i32
        %mul3A_111 = arith.muli %add3A_109, %mul3A_110 : i32
        %dma_start3A_112 = arith.constant 0 : i32
        %dma_start3A_113 = arith.constant 0 : i32
        %dma_start3A_114 = tpu.memref_slice %arg6[%rem3A_67, %dma_start3A_112, %dma_start3A_113] : memref<2x128x128xf32, #tpu.memory_space<vmem>> -> memref<1x128x128xf32, #tpu.memory_space<vmem>>
        %dma_start3A_115 = tpu.memref_squeeze %dma_start3A_114 : memref<1x128x128xf32, #tpu.memory_space<vmem>> -> memref<128x128xf32, #tpu.memory_space<vmem>>
        %dma_start3A_116 = tpu.memref_slice %arg5[%mul3A_111] : memref<2816xi32, #tpu.memory_space<vmem>> -> memref<128xi32, #tpu.memory_space<vmem>>
        %dma_start3A_117 = arith.constant 0 : i32
        %dma_start3A_118 = arith.constant 0 : i32
        %dma_start3A_119 = tpu.memref_slice %arg7[%dma_start3A_117, %dma_start3A_118] : memref<10000x128xf32, #tpu.memory_space<vmem_shared>> -> memref<10000x128xf32, #tpu.memory_space<vmem_shared>>
        tpu.enqueue_indirect_dma source(%dma_start3A_119 : memref<10000x128xf32, #tpu.memory_space<vmem_shared>>) target(%dma_start3A_115 : memref<128x128xf32, #tpu.memory_space<vmem>>) offsets(%dma_start3A_116 : memref<128xi32, #tpu.memory_space<vmem>>) semaphore(%arg8 : memref<!tpu.dma_semaphore, #tpu.memory_space<semaphore_mem>>)
      } else {
      }
      %mul3A_82 = arith.constant 128 : i32
      %mul3A_83 = arith.muli %scan3A_60, %mul3A_82 : i32
      %dma_wait3A_84 = arith.constant 0 : i32
      %dma_wait3A_85 = arith.constant 0 : i32
      %dma_wait3A_86 = tpu.memref_slice %arg6[%rem3A_63, %dma_wait3A_84, %dma_wait3A_85] : memref<2x128x128xf32, #tpu.memory_space<vmem>> -> memref<1x128x128xf32, #tpu.memory_space<vmem>>
      %dma_wait3A_87 = tpu.memref_squeeze %dma_wait3A_86 : memref<1x128x128xf32, #tpu.memory_space<vmem>> -> memref<128x128xf32, #tpu.memory_space<vmem>>
      %dma_wait3A_88 = tpu.memref_slice %arg5[%mul3A_83] : memref<2816xi32, #tpu.memory_space<vmem>> -> memref<128xi32, #tpu.memory_space<vmem>>
      %dma_wait3A_89 = arith.constant 0 : i32
      %dma_wait3A_90 = arith.constant 0 : i32
      %dma_wait3A_91 = tpu.memref_slice %arg7[%dma_wait3A_89, %dma_wait3A_90] : memref<10000x128xf32, #tpu.memory_space<vmem_shared>> -> memref<10000x128xf32, #tpu.memory_space<vmem_shared>>
      tpu.wait_indirect_dma semaphore(%arg8 : memref<!tpu.dma_semaphore, #tpu.memory_space<semaphore_mem>>) src(%dma_wait3A_91 : memref<10000x128xf32, #tpu.memory_space<vmem_shared>>) dst(%dma_wait3A_87 : memref<128x128xf32, #tpu.memory_space<vmem>>)
      %mul3A_92 = arith.constant 128 : i32
      %mul3A_93 = arith.muli %scan3A_60, %mul3A_92 : i32
      %add3A_94 = arith.addi %mul3A_2, %mul3A_93 : i32
      %dma_start3A_95 = arith.constant 0 : i32
      %dma_start3A_96 = arith.constant 0 : i32
      %dma_start3A_97 = tpu.memref_slice %arg6[%rem3A_63, %dma_start3A_95, %dma_start3A_96] : memref<2x128x128xf32, #tpu.memory_space<vmem>> -> memref<1x128x128xf32, #tpu.memory_space<vmem>>
      %dma_start3A_98 = tpu.memref_squeeze %dma_start3A_97 : memref<1x128x128xf32, #tpu.memory_space<vmem>> -> memref<128x128xf32, #tpu.memory_space<vmem>>
      %dma_start3A_99 = arith.constant 0 : i32
      %dma_start3A_100 = tpu.memref_slice %arg4[%add3A_94, %dma_start3A_99] : memref<90112x128xf32, #tpu.memory_space<hbm>> -> memref<128x128xf32, #tpu.memory_space<hbm>>
      %dma_start3A_101 = arith.constant 0 : i32
      %dma_start3A_102 = tpu.memref_slice %arg4[%add3A_94, %dma_start3A_101] : memref<90112x128xf32, #tpu.memory_space<hbm>> -> memref<128x128xf32, #tpu.memory_space<hbm>>
      %dma_start3A_103 = arith.constant 0 : i32
      %dma_start3A_104 = arith.constant 0 : i32
      %dma_start3A_105 = tpu.memref_slice %arg6[%rem3A_63, %dma_start3A_103, %dma_start3A_104] : memref<2x128x128xf32, #tpu.memory_space<vmem>> -> memref<1x128x128xf32, #tpu.memory_space<vmem>>
      %dma_start3A_106 = tpu.memref_squeeze %dma_start3A_105 : memref<1x128x128xf32, #tpu.memory_space<vmem>> -> memref<128x128xf32, #tpu.memory_space<vmem>>
      tpu.enqueue_dma source(%dma_start3A_106 : memref<128x128xf32, #tpu.memory_space<vmem>>) target(%dma_start3A_102 : memref<128x128xf32, #tpu.memory_space<hbm>>) target_semaphore(%arg9 : memref<!tpu.dma_semaphore, #tpu.memory_space<semaphore_mem>>)
      %scan3A_107 = arith.constant 0 : i32
      scf.yield %scan3A_107 : i32
    }
    %scan3A_27 = arith.constant 22 : i32
    %rem3A = arith.constant 20 : i32
    %rem3A_28 = arith.constant 2 : i32
    %rem3A_29 = arith.remsi %rem3A, %rem3A_28 : i32
    %add3A_30 = arith.constant 2560 : i32
    %add3A_31 = arith.addi %mul3A_2, %add3A_30 : i32
    %dma_wait3A = arith.constant 0 : i32
    %dma_wait3A_32 = arith.constant 0 : i32
    %dma_wait3A_33 = tpu.memref_slice %arg6[%rem3A_29, %dma_wait3A, %dma_wait3A_32] : memref<2x128x128xf32, #tpu.memory_space<vmem>> -> memref<1x128x128xf32, #tpu.memory_space<vmem>>
    %dma_wait3A_34 = tpu.memref_squeeze %dma_wait3A_33 : memref<1x128x128xf32, #tpu.memory_space<vmem>> -> memref<128x128xf32, #tpu.memory_space<vmem>>
    %dma_wait3A_35 = arith.constant 0 : i32
    %dma_wait3A_36 = tpu.memref_slice %arg4[%add3A_31, %dma_wait3A_35] : memref<90112x128xf32, #tpu.memory_space<hbm>> -> memref<128x128xf32, #tpu.memory_space<hbm>>
    %dma_wait3A_37 = arith.constant 0 : i32
    %dma_wait3A_38 = tpu.memref_slice %arg4[%add3A_31, %dma_wait3A_37] : memref<90112x128xf32, #tpu.memory_space<hbm>> -> memref<128x128xf32, #tpu.memory_space<hbm>>
    %dma_wait3A_39 = arith.constant 0 : i32
    %dma_wait3A_40 = arith.constant 0 : i32
    %dma_wait3A_41 = tpu.memref_slice %arg6[%rem3A_29, %dma_wait3A_39, %dma_wait3A_40] : memref<2x128x128xf32, #tpu.memory_space<vmem>> -> memref<1x128x128xf32, #tpu.memory_space<vmem>>
    %dma_wait3A_42 = tpu.memref_squeeze %dma_wait3A_41 : memref<1x128x128xf32, #tpu.memory_space<vmem>> -> memref<128x128xf32, #tpu.memory_space<vmem>>
    tpu.wait_dma2 semaphore(%arg9 : memref<!tpu.dma_semaphore, #tpu.memory_space<semaphore_mem>>) src(%dma_wait3A_42 : memref<128x128xf32, #tpu.memory_space<vmem>>) dst(%dma_wait3A_38 : memref<128x128xf32, #tpu.memory_space<hbm>>)
    %rem3A_43 = arith.constant 21 : i32
    %rem3A_44 = arith.constant 2 : i32
    %rem3A_45 = arith.remsi %rem3A_43, %rem3A_44 : i32
    %add3A_46 = arith.constant 2688 : i32
    %add3A_47 = arith.addi %mul3A_2, %add3A_46 : i32
    %dma_wait3A_48 = arith.constant 0 : i32
    %dma_wait3A_49 = arith.constant 0 : i32
    %dma_wait3A_50 = tpu.memref_slice %arg6[%rem3A_45, %dma_wait3A_48, %dma_wait3A_49] : memref<2x128x128xf32, #tpu.memory_space<vmem>> -> memref<1x128x128xf32, #tpu.memory_space<vmem>>
    %dma_wait3A_51 = tpu.memref_squeeze %dma_wait3A_50 : memref<1x128x128xf32, #tpu.memory_space<vmem>> -> memref<128x128xf32, #tpu.memory_space<vmem>>
    %dma_wait3A_52 = arith.constant 0 : i32
    %dma_wait3A_53 = tpu.memref_slice %arg4[%add3A_47, %dma_wait3A_52] : memref<90112x128xf32, #tpu.memory_space<hbm>> -> memref<128x128xf32, #tpu.memory_space<hbm>>
    %dma_wait3A_54 = arith.constant 0 : i32
    %dma_wait3A_55 = tpu.memref_slice %arg4[%add3A_47, %dma_wait3A_54] : memref<90112x128xf32, #tpu.memory_space<hbm>> -> memref<128x128xf32, #tpu.memory_space<hbm>>
    %dma_wait3A_56 = arith.constant 0 : i32
    %dma_wait3A_57 = arith.constant 0 : i32
    %dma_wait3A_58 = tpu.memref_slice %arg6[%rem3A_45, %dma_wait3A_56, %dma_wait3A_57] : memref<2x128x128xf32, #tpu.memory_space<vmem>> -> memref<1x128x128xf32, #tpu.memory_space<vmem>>
    %dma_wait3A_59 = tpu.memref_squeeze %dma_wait3A_58 : memref<1x128x128xf32, #tpu.memory_space<vmem>> -> memref<128x128xf32, #tpu.memory_space<vmem>>
    tpu.wait_dma2 semaphore(%arg9 : memref<!tpu.dma_semaphore, #tpu.memory_space<semaphore_mem>>) src(%dma_wait3A_59 : memref<128x128xf32, #tpu.memory_space<vmem>>) dst(%dma_wait3A_55 : memref<128x128xf32, #tpu.memory_space<hbm>>)
    return
  }
}

#map = affine_map<(d0, d1) -> (0, 0)>
#map1 = affine_map<(d0, d1) -> (0)>
module attributes {stable_mosaic.version = 14 : i64} {
  func.func @gather_k(%arg0: i32, %arg1: i32, %arg2: memref<10000x128xf32, #tpu.memory_space<hbm>>, %arg3: memref<320000xi32, #tpu.memory_space<hbm>>, %arg4: memref<90112x128xf32, #tpu.memory_space<hbm>>, %arg5: memref<2816xi32, #tpu.memory_space<vmem>>, %arg6: memref<2x128x128xf32, #tpu.memory_space<vmem>>, %arg7: memref<10000x128xf32, #tpu.memory_space<vmem_shared>>, %arg8: memref<!tpu.dma_semaphore, #tpu.memory_space<semaphore_mem>>, %arg9: memref<!tpu.dma_semaphore, #tpu.memory_space<semaphore_mem>>) attributes {dimension_semantics = [#tpu.dimension_semantics<core_parallel>, #tpu.dimension_semantics<subcore_parallel>], iteration_bounds = array<i64: 2, 16>, scalar_prefetch = 0 : i64, scratch_operands = 5 : i64, tpu.core_type = #tpu.core_type<sc_vector_subcore>, window_params = [{transform_indices = #map}, {transform_indices = #map1}, {transform_indices = #map}]} {
    %mul3A = arith.constant 2 : i32
    %mul3A_0 = arith.muli %arg1, %mul3A : i32
    %add3A = arith.addi %mul3A_0, %arg0 : i32
    %mul3A_1 = arith.constant 2816 : i32
    %mul3A_2 = arith.muli %add3A, %mul3A_1 : i32
    %mul3A_3 = arith.constant 624 : i32
    %mul3A_4 = arith.muli %arg1, %mul3A_3 : i32
    %mul3A_5 = arith.constant 624 : i32
    %mul3A_6 = arith.muli %arg1, %mul3A_5 : i32
    "tpu.region"() ({
      %run_scoped3A = tpu.sem_alloc : memref<!tpu.dma_semaphore, #tpu.memory_space<semaphore_mem>>
      %dma_start3A_60 = arith.constant 0 : i32
      %dma_start3A_61 = tpu.memref_slice %arg7[%mul3A_6, %dma_start3A_60] : memref<10000x128xf32, #tpu.memory_space<vmem_shared>> -> memref<624x128xf32, #tpu.memory_space<vmem_shared>>
      %dma_start3A_62 = arith.constant 0 : i32
      %dma_start3A_63 = tpu.memref_slice %arg2[%mul3A_4, %dma_start3A_62] : memref<10000x128xf32, #tpu.memory_space<hbm>> -> memref<624x128xf32, #tpu.memory_space<hbm>>
      tpu.enqueue_dma source(%dma_start3A_63 : memref<624x128xf32, #tpu.memory_space<hbm>>) target(%dma_start3A_61 : memref<624x128xf32, #tpu.memory_space<vmem_shared>>) target_semaphore(%run_scoped3A : memref<!tpu.dma_semaphore, #tpu.memory_space<semaphore_mem>>)
      %dma_wait3A_64 = arith.constant 0 : i32
      %dma_wait3A_65 = tpu.memref_slice %arg7[%mul3A_6, %dma_wait3A_64] : memref<10000x128xf32, #tpu.memory_space<vmem_shared>> -> memref<624x128xf32, #tpu.memory_space<vmem_shared>>
      %dma_wait3A_66 = arith.constant 0 : i32
      %dma_wait3A_67 = tpu.memref_slice %arg2[%mul3A_4, %dma_wait3A_66] : memref<10000x128xf32, #tpu.memory_space<hbm>> -> memref<624x128xf32, #tpu.memory_space<hbm>>
      tpu.wait_dma2 semaphore(%run_scoped3A : memref<!tpu.dma_semaphore, #tpu.memory_space<semaphore_mem>>) src(%dma_wait3A_67 : memref<624x128xf32, #tpu.memory_space<hbm>>) dst(%dma_wait3A_65 : memref<624x128xf32, #tpu.memory_space<vmem_shared>>)
      tpu.yield
    }) : () -> ()
    %eq3A = arith.constant 0 : i32
    %eq3A_7 = arith.cmpi eq, %arg1, %eq3A : i32
    %convert_element_type3A = arith.extui %eq3A_7 : i1 to i32
    %cond3A = arith.constant 0 : i32
    %cond3A_8 = arith.cmpi ne, %convert_element_type3A, %cond3A : i32
    scf.if %cond3A_8 {
      "tpu.region"() ({
        %run_scoped3A = tpu.sem_alloc : memref<!tpu.dma_semaphore, #tpu.memory_space<semaphore_mem>>
        %dma_start3A_60 = arith.constant 9984 : i32
        %dma_start3A_61 = arith.constant 0 : i32
        %dma_start3A_62 = tpu.memref_slice %arg7[%dma_start3A_60, %dma_start3A_61] : memref<10000x128xf32, #tpu.memory_space<vmem_shared>> -> memref<16x128xf32, #tpu.memory_space<vmem_shared>>
        %dma_start3A_63 = arith.constant 9984 : i32
        %dma_start3A_64 = arith.constant 0 : i32
        %dma_start3A_65 = tpu.memref_slice %arg2[%dma_start3A_63, %dma_start3A_64] : memref<10000x128xf32, #tpu.memory_space<hbm>> -> memref<16x128xf32, #tpu.memory_space<hbm>>
        tpu.enqueue_dma source(%dma_start3A_65 : memref<16x128xf32, #tpu.memory_space<hbm>>) target(%dma_start3A_62 : memref<16x128xf32, #tpu.memory_space<vmem_shared>>) target_semaphore(%run_scoped3A : memref<!tpu.dma_semaphore, #tpu.memory_space<semaphore_mem>>)
        %dma_wait3A_66 = arith.constant 9984 : i32
        %dma_wait3A_67 = arith.constant 0 : i32
        %dma_wait3A_68 = tpu.memref_slice %arg7[%dma_wait3A_66, %dma_wait3A_67] : memref<10000x128xf32, #tpu.memory_space<vmem_shared>> -> memref<16x128xf32, #tpu.memory_space<vmem_shared>>
        %dma_wait3A_69 = arith.constant 9984 : i32
        %dma_wait3A_70 = arith.constant 0 : i32
        %dma_wait3A_71 = tpu.memref_slice %arg2[%dma_wait3A_69, %dma_wait3A_70] : memref<10000x128xf32, #tpu.memory_space<hbm>> -> memref<16x128xf32, #tpu.memory_space<hbm>>
        tpu.wait_dma2 semaphore(%run_scoped3A : memref<!tpu.dma_semaphore, #tpu.memory_space<semaphore_mem>>) src(%dma_wait3A_71 : memref<16x128xf32, #tpu.memory_space<hbm>>) dst(%dma_wait3A_68 : memref<16x128xf32, #tpu.memory_space<vmem_shared>>)
        tpu.yield
      }) : () -> ()
    } else {
    }
    %mul3A_9 = arith.constant 10000 : i32
    %mul3A_10 = arith.muli %add3A, %mul3A_9 : i32
    %add3A_11 = arith.constant 0 : i32
    %add3A_12 = arith.addi %mul3A_10, %add3A_11 : i32
    "tpu.region"() ({
      %run_scoped3A = tpu.sem_alloc : memref<!tpu.dma_semaphore, #tpu.memory_space<semaphore_mem>>
      %dma_start3A_60 = tpu.memref_slice %arg3[%add3A_12] : memref<320000xi32, #tpu.memory_space<hbm>> -> memref<2816xi32, #tpu.memory_space<hbm>>
      %dma_start3A_61 = tpu.memref_slice %arg3[%add3A_12] : memref<320000xi32, #tpu.memory_space<hbm>> -> memref<2816xi32, #tpu.memory_space<hbm>>
      tpu.enqueue_dma source(%dma_start3A_61 : memref<2816xi32, #tpu.memory_space<hbm>>) target(%arg5 : memref<2816xi32, #tpu.memory_space<vmem>>) target_semaphore(%run_scoped3A : memref<!tpu.dma_semaphore, #tpu.memory_space<semaphore_mem>>)
      %dma_wait3A_62 = tpu.memref_slice %arg3[%add3A_12] : memref<320000xi32, #tpu.memory_space<hbm>> -> memref<2816xi32, #tpu.memory_space<hbm>>
      %dma_wait3A_63 = tpu.memref_slice %arg3[%add3A_12] : memref<320000xi32, #tpu.memory_space<hbm>> -> memref<2816xi32, #tpu.memory_space<hbm>>
      tpu.wait_dma2 semaphore(%run_scoped3A : memref<!tpu.dma_semaphore, #tpu.memory_space<semaphore_mem>>) src(%dma_wait3A_63 : memref<2816xi32, #tpu.memory_space<hbm>>) dst(%arg5 : memref<2816xi32, #tpu.memory_space<vmem>>)
      tpu.yield
    }) : () -> ()
    %barrier3A = arith.constant 0 : index
    tpu.barrier barrier_id(%barrier3A)
    %dma_start3A = arith.constant 0 : i32
    %dma_start3A_13 = arith.constant 0 : i32
    %dma_start3A_14 = arith.constant 0 : i32
    %dma_start3A_15 = tpu.memref_slice %arg6[%dma_start3A, %dma_start3A_13, %dma_start3A_14] : memref<2x128x128xf32, #tpu.memory_space<vmem>> -> memref<1x128x128xf32, #tpu.memory_space<vmem>>
    %dma_start3A_16 = tpu.memref_squeeze %dma_start3A_15 : memref<1x128x128xf32, #tpu.memory_space<vmem>> -> memref<128x128xf32, #tpu.memory_space<vmem>>
    %dma_start3A_17 = arith.constant 0 : i32
    %dma_start3A_18 = tpu.memref_slice %arg5[%dma_start3A_17] : memref<2816xi32, #tpu.memory_space<vmem>> -> memref<128xi32, #tpu.memory_space<vmem>>
    %dma_start3A_19 = arith.constant 0 : i32
    %dma_start3A_20 = arith.constant 0 : i32
    %dma_start3A_21 = tpu.memref_slice %arg7[%dma_start3A_19, %dma_start3A_20] : memref<10000x128xf32, #tpu.memory_space<vmem_shared>> -> memref<10000x128xf32, #tpu.memory_space<vmem_shared>>
    tpu.enqueue_indirect_dma source(%dma_start3A_21 : memref<10000x128xf32, #tpu.memory_space<vmem_shared>>) target(%dma_start3A_16 : memref<128x128xf32, #tpu.memory_space<vmem>>) offsets(%dma_start3A_18 : memref<128xi32, #tpu.memory_space<vmem>>) semaphore(%arg8 : memref<!tpu.dma_semaphore, #tpu.memory_space<semaphore_mem>>)
    %scan3A = arith.constant 0 : i32
    %scan3A_22 = arith.constant 0 : i32
    %scan3A_23 = arith.constant 22 : i32
    %scan3A_24 = arith.addi %scan3A_22, %scan3A_23 : i32
    %scan3A_25 = arith.constant 1 : i32
    %scan3A_26 = scf.for %scan3A_60 = %scan3A_22 to %scan3A_24 step %scan3A_25 iter_args(%scan3A_61 = %scan3A) -> (i32)  : i32 {
      %rem3A_62 = arith.constant 2 : i32
      %rem3A_63 = arith.remsi %scan3A_60, %rem3A_62 : i32
      %add3A_64 = arith.constant 1 : i32
      %add3A_65 = arith.addi %scan3A_60, %add3A_64 : i32
      %rem3A_66 = arith.constant 2 : i32
      %rem3A_67 = arith.remsi %add3A_65, %rem3A_66 : i32
      %add3A_68 = arith.constant 1 : i32
      %add3A_69 = arith.addi %scan3A_60, %add3A_68 : i32
      %lt3A = arith.constant 22 : i32
      %lt3A_70 = arith.cmpi slt, %add3A_69, %lt3A : i32
      %ge3A = arith.constant 1 : i32
      %ge3A_71 = arith.cmpi sge, %scan3A_60, %ge3A : i32
      %and3A = arith.andi %lt3A_70, %ge3A_71 : i1
      %convert_element_type3A_72 = arith.extui %and3A : i1 to i32
      %cond3A_73 = arith.constant 0 : i32
      %cond3A_74 = arith.cmpi ne, %convert_element_type3A_72, %cond3A_73 : i32
      scf.if %cond3A_74 {
        %sub3A = arith.constant 1 : i32
        %sub3A_108 = arith.subi %scan3A_60, %sub3A : i32
        %mul3A_109 = arith.constant 128 : i32
        %mul3A_110 = arith.muli %sub3A_108, %mul3A_109 : i32
        %add3A_111 = arith.addi %mul3A_2, %mul3A_110 : i32
        %dma_wait3A_112 = arith.constant 0 : i32
        %dma_wait3A_113 = arith.constant 0 : i32
        %dma_wait3A_114 = tpu.memref_slice %arg6[%rem3A_67, %dma_wait3A_112, %dma_wait3A_113] : memref<2x128x128xf32, #tpu.memory_space<vmem>> -> memref<1x128x128xf32, #tpu.memory_space<vmem>>
        %dma_wait3A_115 = tpu.memref_squeeze %dma_wait3A_114 : memref<1x128x128xf32, #tpu.memory_space<vmem>> -> memref<128x128xf32, #tpu.memory_space<vmem>>
        %dma_wait3A_116 = arith.constant 0 : i32
        %dma_wait3A_117 = tpu.memref_slice %arg4[%add3A_111, %dma_wait3A_116] : memref<90112x128xf32, #tpu.memory_space<hbm>> -> memref<128x128xf32, #tpu.memory_space<hbm>>
        %dma_wait3A_118 = arith.constant 0 : i32
        %dma_wait3A_119 = tpu.memref_slice %arg4[%add3A_111, %dma_wait3A_118] : memref<90112x128xf32, #tpu.memory_space<hbm>> -> memref<128x128xf32, #tpu.memory_space<hbm>>
        %dma_wait3A_120 = arith.constant 0 : i32
        %dma_wait3A_121 = arith.constant 0 : i32
        %dma_wait3A_122 = tpu.memref_slice %arg6[%rem3A_67, %dma_wait3A_120, %dma_wait3A_121] : memref<2x128x128xf32, #tpu.memory_space<vmem>> -> memref<1x128x128xf32, #tpu.memory_space<vmem>>
        %dma_wait3A_123 = tpu.memref_squeeze %dma_wait3A_122 : memref<1x128x128xf32, #tpu.memory_space<vmem>> -> memref<128x128xf32, #tpu.memory_space<vmem>>
        tpu.wait_dma2 semaphore(%arg9 : memref<!tpu.dma_semaphore, #tpu.memory_space<semaphore_mem>>) src(%dma_wait3A_123 : memref<128x128xf32, #tpu.memory_space<vmem>>) dst(%dma_wait3A_119 : memref<128x128xf32, #tpu.memory_space<hbm>>)
      } else {
      }
      %add3A_75 = arith.constant 1 : i32
      %add3A_76 = arith.addi %scan3A_60, %add3A_75 : i32
      %lt3A_77 = arith.constant 22 : i32
      %lt3A_78 = arith.cmpi slt, %add3A_76, %lt3A_77 : i32
      %convert_element_type3A_79 = arith.extui %lt3A_78 : i1 to i32
      %cond3A_80 = arith.constant 0 : i32
      %cond3A_81 = arith.cmpi ne, %convert_element_type3A_79, %cond3A_80 : i32
      scf.if %cond3A_81 {
        %add3A_108 = arith.constant 1 : i32
        %add3A_109 = arith.addi %scan3A_60, %add3A_108 : i32
        %mul3A_110 = arith.constant 128 : i32
        %mul3A_111 = arith.muli %add3A_109, %mul3A_110 : i32
        %dma_start3A_112 = arith.constant 0 : i32
        %dma_start3A_113 = arith.constant 0 : i32
        %dma_start3A_114 = tpu.memref_slice %arg6[%rem3A_67, %dma_start3A_112, %dma_start3A_113] : memref<2x128x128xf32, #tpu.memory_space<vmem>> -> memref<1x128x128xf32, #tpu.memory_space<vmem>>
        %dma_start3A_115 = tpu.memref_squeeze %dma_start3A_114 : memref<1x128x128xf32, #tpu.memory_space<vmem>> -> memref<128x128xf32, #tpu.memory_space<vmem>>
        %dma_start3A_116 = tpu.memref_slice %arg5[%mul3A_111] : memref<2816xi32, #tpu.memory_space<vmem>> -> memref<128xi32, #tpu.memory_space<vmem>>
        %dma_start3A_117 = arith.constant 0 : i32
        %dma_start3A_118 = arith.constant 0 : i32
        %dma_start3A_119 = tpu.memref_slice %arg7[%dma_start3A_117, %dma_start3A_118] : memref<10000x128xf32, #tpu.memory_space<vmem_shared>> -> memref<10000x128xf32, #tpu.memory_space<vmem_shared>>
        tpu.enqueue_indirect_dma source(%dma_start3A_119 : memref<10000x128xf32, #tpu.memory_space<vmem_shared>>) target(%dma_start3A_115 : memref<128x128xf32, #tpu.memory_space<vmem>>) offsets(%dma_start3A_116 : memref<128xi32, #tpu.memory_space<vmem>>) semaphore(%arg8 : memref<!tpu.dma_semaphore, #tpu.memory_space<semaphore_mem>>)
      } else {
      }
      %mul3A_82 = arith.constant 128 : i32
      %mul3A_83 = arith.muli %scan3A_60, %mul3A_82 : i32
      %dma_wait3A_84 = arith.constant 0 : i32
      %dma_wait3A_85 = arith.constant 0 : i32
      %dma_wait3A_86 = tpu.memref_slice %arg6[%rem3A_63, %dma_wait3A_84, %dma_wait3A_85] : memref<2x128x128xf32, #tpu.memory_space<vmem>> -> memref<1x128x128xf32, #tpu.memory_space<vmem>>
      %dma_wait3A_87 = tpu.memref_squeeze %dma_wait3A_86 : memref<1x128x128xf32, #tpu.memory_space<vmem>> -> memref<128x128xf32, #tpu.memory_space<vmem>>
      %dma_wait3A_88 = tpu.memref_slice %arg5[%mul3A_83] : memref<2816xi32, #tpu.memory_space<vmem>> -> memref<128xi32, #tpu.memory_space<vmem>>
      %dma_wait3A_89 = arith.constant 0 : i32
      %dma_wait3A_90 = arith.constant 0 : i32
      %dma_wait3A_91 = tpu.memref_slice %arg7[%dma_wait3A_89, %dma_wait3A_90] : memref<10000x128xf32, #tpu.memory_space<vmem_shared>> -> memref<10000x128xf32, #tpu.memory_space<vmem_shared>>
      tpu.wait_indirect_dma semaphore(%arg8 : memref<!tpu.dma_semaphore, #tpu.memory_space<semaphore_mem>>) src(%dma_wait3A_91 : memref<10000x128xf32, #tpu.memory_space<vmem_shared>>) dst(%dma_wait3A_87 : memref<128x128xf32, #tpu.memory_space<vmem>>)
      %mul3A_92 = arith.constant 128 : i32
      %mul3A_93 = arith.muli %scan3A_60, %mul3A_92 : i32
      %add3A_94 = arith.addi %mul3A_2, %mul3A_93 : i32
      %dma_start3A_95 = arith.constant 0 : i32
      %dma_start3A_96 = arith.constant 0 : i32
      %dma_start3A_97 = tpu.memref_slice %arg6[%rem3A_63, %dma_start3A_95, %dma_start3A_96] : memref<2x128x128xf32, #tpu.memory_space<vmem>> -> memref<1x128x128xf32, #tpu.memory_space<vmem>>
      %dma_start3A_98 = tpu.memref_squeeze %dma_start3A_97 : memref<1x128x128xf32, #tpu.memory_space<vmem>> -> memref<128x128xf32, #tpu.memory_space<vmem>>
      %dma_start3A_99 = arith.constant 0 : i32
      %dma_start3A_100 = tpu.memref_slice %arg4[%add3A_94, %dma_start3A_99] : memref<90112x128xf32, #tpu.memory_space<hbm>> -> memref<128x128xf32, #tpu.memory_space<hbm>>
      %dma_start3A_101 = arith.constant 0 : i32
      %dma_start3A_102 = tpu.memref_slice %arg4[%add3A_94, %dma_start3A_101] : memref<90112x128xf32, #tpu.memory_space<hbm>> -> memref<128x128xf32, #tpu.memory_space<hbm>>
      %dma_start3A_103 = arith.constant 0 : i32
      %dma_start3A_104 = arith.constant 0 : i32
      %dma_start3A_105 = tpu.memref_slice %arg6[%rem3A_63, %dma_start3A_103, %dma_start3A_104] : memref<2x128x128xf32, #tpu.memory_space<vmem>> -> memref<1x128x128xf32, #tpu.memory_space<vmem>>
      %dma_start3A_106 = tpu.memref_squeeze %dma_start3A_105 : memref<1x128x128xf32, #tpu.memory_space<vmem>> -> memref<128x128xf32, #tpu.memory_space<vmem>>
      tpu.enqueue_dma source(%dma_start3A_106 : memref<128x128xf32, #tpu.memory_space<vmem>>) target(%dma_start3A_102 : memref<128x128xf32, #tpu.memory_space<hbm>>) target_semaphore(%arg9 : memref<!tpu.dma_semaphore, #tpu.memory_space<semaphore_mem>>)
      %scan3A_107 = arith.constant 0 : i32
      scf.yield %scan3A_107 : i32
    }
    %scan3A_27 = arith.constant 22 : i32
    %rem3A = arith.constant 20 : i32
    %rem3A_28 = arith.constant 2 : i32
    %rem3A_29 = arith.remsi %rem3A, %rem3A_28 : i32
    %add3A_30 = arith.constant 2560 : i32
    %add3A_31 = arith.addi %mul3A_2, %add3A_30 : i32
    %dma_wait3A = arith.constant 0 : i32
    %dma_wait3A_32 = arith.constant 0 : i32
    %dma_wait3A_33 = tpu.memref_slice %arg6[%rem3A_29, %dma_wait3A, %dma_wait3A_32] : memref<2x128x128xf32, #tpu.memory_space<vmem>> -> memref<1x128x128xf32, #tpu.memory_space<vmem>>
    %dma_wait3A_34 = tpu.memref_squeeze %dma_wait3A_33 : memref<1x128x128xf32, #tpu.memory_space<vmem>> -> memref<128x128xf32, #tpu.memory_space<vmem>>
    %dma_wait3A_35 = arith.constant 0 : i32
    %dma_wait3A_36 = tpu.memref_slice %arg4[%add3A_31, %dma_wait3A_35] : memref<90112x128xf32, #tpu.memory_space<hbm>> -> memref<128x128xf32, #tpu.memory_space<hbm>>
    %dma_wait3A_37 = arith.constant 0 : i32
    %dma_wait3A_38 = tpu.memref_slice %arg4[%add3A_31, %dma_wait3A_37] : memref<90112x128xf32, #tpu.memory_space<hbm>> -> memref<128x128xf32, #tpu.memory_space<hbm>>
    %dma_wait3A_39 = arith.constant 0 : i32
    %dma_wait3A_40 = arith.constant 0 : i32
    %dma_wait3A_41 = tpu.memref_slice %arg6[%rem3A_29, %dma_wait3A_39, %dma_wait3A_40] : memref<2x128x128xf32, #tpu.memory_space<vmem>> -> memref<1x128x128xf32, #tpu.memory_space<vmem>>
    %dma_wait3A_42 = tpu.memref_squeeze %dma_wait3A_41 : memref<1x128x128xf32, #tpu.memory_space<vmem>> -> memref<128x128xf32, #tpu.memory_space<vmem>>
    tpu.wait_dma2 semaphore(%arg9 : memref<!tpu.dma_semaphore, #tpu.memory_space<semaphore_mem>>) src(%dma_wait3A_42 : memref<128x128xf32, #tpu.memory_space<vmem>>) dst(%dma_wait3A_38 : memref<128x128xf32, #tpu.memory_space<hbm>>)
    %rem3A_43 = arith.constant 21 : i32
    %rem3A_44 = arith.constant 2 : i32
    %rem3A_45 = arith.remsi %rem3A_43, %rem3A_44 : i32
    %add3A_46 = arith.constant 2688 : i32
    %add3A_47 = arith.addi %mul3A_2, %add3A_46 : i32
    %dma_wait3A_48 = arith.constant 0 : i32
    %dma_wait3A_49 = arith.constant 0 : i32
    %dma_wait3A_50 = tpu.memref_slice %arg6[%rem3A_45, %dma_wait3A_48, %dma_wait3A_49] : memref<2x128x128xf32, #tpu.memory_space<vmem>> -> memref<1x128x128xf32, #tpu.memory_space<vmem>>
    %dma_wait3A_51 = tpu.memref_squeeze %dma_wait3A_50 : memref<1x128x128xf32, #tpu.memory_space<vmem>> -> memref<128x128xf32, #tpu.memory_space<vmem>>
    %dma_wait3A_52 = arith.constant 0 : i32
    %dma_wait3A_53 = tpu.memref_slice %arg4[%add3A_47, %dma_wait3A_52] : memref<90112x128xf32, #tpu.memory_space<hbm>> -> memref<128x128xf32, #tpu.memory_space<hbm>>
    %dma_wait3A_54 = arith.constant 0 : i32
    %dma_wait3A_55 = tpu.memref_slice %arg4[%add3A_47, %dma_wait3A_54] : memref<90112x128xf32, #tpu.memory_space<hbm>> -> memref<128x128xf32, #tpu.memory_space<hbm>>
    %dma_wait3A_56 = arith.constant 0 : i32
    %dma_wait3A_57 = arith.constant 0 : i32
    %dma_wait3A_58 = tpu.memref_slice %arg6[%rem3A_45, %dma_wait3A_56, %dma_wait3A_57] : memref<2x128x128xf32, #tpu.memory_space<vmem>> -> memref<1x128x128xf32, #tpu.memory_space<vmem>>
    %dma_wait3A_59 = tpu.memref_squeeze %dma_wait3A_58 : memref<1x128x128xf32, #tpu.memory_space<vmem>> -> memref<128x128xf32, #tpu.memory_space<vmem>>
    tpu.wait_dma2 semaphore(%arg9 : memref<!tpu.dma_semaphore, #tpu.memory_space<semaphore_mem>>) src(%dma_wait3A_59 : memref<128x128xf32, #tpu.memory_space<vmem>>) dst(%dma_wait3A_55 : memref<128x128xf32, #tpu.memory_space<hbm>>)
    return
  }
}

module attributes {stable_mosaic.version = 14 : i64} {
  func.func @body(%arg0: i32, %arg1: memref<1x32x64x256xf32, #tpu.memory_space<vmem>>, %arg2: memref<32x256x128xf32, #tpu.memory_space<vmem>>, %arg3: memref<64x128xf32, #tpu.memory_space<vmem>>, %arg4: memref<1x128xf32, #tpu.memory_space<vmem>>, %arg5: memref<128x128xf32, #tpu.memory_space<vmem>>, %arg6: memref<1x128xf32, #tpu.memory_space<vmem>>, %arg7: memref<10000x128xf32, #tpu.memory_space<hbm>>, %arg8: memref<256x128xf32, #tpu.memory_space<vmem>>) attributes {dimension_semantics = [#tpu.dimension_semantics<arbitrary>], iteration_bounds = array<i64: 11>, scalar_prefetch = 0 : i64, scratch_operands = 0 : i64, tpu.core_type = #tpu.core_type<tc>, window_params = [{transform_indices = @transform_0, window_bounds = array<i64: 1, 32, 64, 256>}, {transform_indices = @transform_1, window_bounds = array<i64: 32, 256, 128>}, {pipeline_mode = #tpu.pipeline_mode<synchronous>, transform_indices = @transform_2, window_bounds = array<i64: 64, 128>}, {pipeline_mode = #tpu.pipeline_mode<synchronous>, transform_indices = @transform_3, window_bounds = array<i64: 1, 128>}, {pipeline_mode = #tpu.pipeline_mode<synchronous>, transform_indices = @transform_4, window_bounds = array<i64: 128, 128>}, {pipeline_mode = #tpu.pipeline_mode<synchronous>, transform_indices = @transform_5, window_bounds = array<i64: 1, 128>}, {}, {transform_indices = @transform_7, window_bounds = array<i64: 256, 128>}]} {
    %get3A = arith.constant 0 : index
    %get3A_0 = arith.constant 0 : index
    %get3A_1 = arith.constant 0 : index
    %get3A_2 = arith.constant 0 : index
    %get3A_3 = vector.load %arg1[%get3A, %get3A_0, %get3A_1, %get3A_2] : memref<1x32x64x256xf32, #tpu.memory_space<vmem>>, vector<1x32x64x256xf32>
    %get3A_4 = vector.shape_cast %get3A_3 : vector<1x32x64x256xf32> to vector<32x64x256xf32>
    %get3A_5 = arith.constant 0 : index
    %get3A_6 = arith.constant 0 : index
    %get3A_7 = vector.load %arg3[%get3A_5, %get3A_6] : memref<64x128xf32, #tpu.memory_space<vmem>>, vector<64x128xf32>
    %dot_general3A = arith.constant dense<0.000000e+00> : vector<32x256x128xf32>
    %dot_general3A_8 = tpu.matmul %get3A_4, %get3A_7, %dot_general3A {dimension_numbers = #tpu.dot_dimension_numbers<[1], [0], [0, 2], [1], [0, 0, 0, 2, 1, 1], [], []>, transpose_lhs_hint = false} : vector<32x64x256xf32>, vector<64x128xf32>, vector<32x256x128xf32> -> vector<32x256x128xf32>
    %get3A_9 = arith.constant 0 : index
    %get3A_10 = arith.constant 0 : index
    %get3A_11 = vector.load %arg4[%get3A_9, %get3A_10] : memref<1x128xf32, #tpu.memory_space<vmem>>, vector<1x128xf32>
    %broadcast_in_dim3A = vector.shape_cast %get3A_11 : vector<1x128xf32> to vector<1x1x128xf32>
    %add3A = vector.broadcast %broadcast_in_dim3A : vector<1x1x128xf32> to vector<32x256x128xf32>
    %add3A_12 = arith.addf %dot_general3A_8, %add3A : vector<32x256x128xf32>
    %tanh3A = math.tanh %add3A_12 : vector<32x256x128xf32>
    %get3A_13 = arith.constant 0 : index
    %get3A_14 = arith.constant 0 : index
    %get3A_15 = vector.load %arg5[%get3A_13, %get3A_14] : memref<128x128xf32, #tpu.memory_space<vmem>>, vector<128x128xf32>
    %dot_general3A_16 = arith.constant dense<0.000000e+00> : vector<32x256x128xf32>
    %dot_general3A_17 = tpu.matmul %tanh3A, %get3A_15, %dot_general3A_16 {dimension_numbers = #tpu.dot_dimension_numbers<[2], [0], [0, 1], [1], [0, 0, 0, 1, 1, 1], [], []>, transpose_lhs_hint = false} : vector<32x256x128xf32>, vector<128x128xf32>, vector<32x256x128xf32> -> vector<32x256x128xf32>
    %get3A_18 = arith.constant 0 : index
    %get3A_19 = arith.constant 0 : index
    %get3A_20 = vector.load %arg6[%get3A_18, %get3A_19] : memref<1x128xf32, #tpu.memory_space<vmem>>, vector<1x128xf32>
    %broadcast_in_dim3A_21 = vector.shape_cast %get3A_20 : vector<1x128xf32> to vector<1x1x128xf32>
    %add3A_22 = vector.broadcast %broadcast_in_dim3A_21 : vector<1x1x128xf32> to vector<32x256x128xf32>
    %add3A_23 = arith.addf %dot_general3A_17, %add3A_22 : vector<32x256x128xf32>
    %get3A_24 = arith.constant 0 : index
    %get3A_25 = arith.constant 0 : index
    %get3A_26 = arith.constant 0 : index
    %get3A_27 = vector.load %arg2[%get3A_24, %get3A_25, %get3A_26] : memref<32x256x128xf32, #tpu.memory_space<vmem>>, vector<32x256x128xf32>
    %mul3A = arith.mulf %add3A_23, %get3A_27 : vector<32x256x128xf32>
    %reduce_sum3A = arith.constant dense<0.000000e+00> : vector<256x128xf32>
    %reduce_sum3A_28 = vector.multi_reduction <add>, %mul3A, %reduce_sum3A [0] : vector<32x256x128xf32> to vector<256x128xf32>
    %swap3A = arith.constant 0 : index
    %swap3A_29 = arith.constant 0 : index
    %swap3A_30 = vector.load %arg8[%swap3A, %swap3A_29] : memref<256x128xf32, #tpu.memory_space<vmem>>, vector<256x128xf32>
    tpu.vector_store %arg8[%swap3A, %swap3A_29], %reduce_sum3A_28 {strides = array<i32>} : memref<256x128xf32, #tpu.memory_space<vmem>>, vector<256x128xf32>,
    return
  }
  func.func @transform_0(%arg0: i32) -> (i32, i32, i32, i32) {
    %add3A = arith.constant 0 : i32
    %add3A_0 = arith.addi %arg0, %add3A : i32
    %c0_i32 = arith.constant 0 : i32
    %c0_i32_1 = arith.constant 0 : i32
    %c0_i32_2 = arith.constant 0 : i32
    %c0_i32_3 = arith.constant 0 : i32
    return %c0_i32, %c0_i32_1, %c0_i32_2, %add3A_0 : i32, i32, i32, i32
  }
  func.func @transform_1(%arg0: i32) -> (i32, i32, i32) {
    %c0_i32 = arith.constant 0 : i32
    %c0_i32_0 = arith.constant 0 : i32
    %c0_i32_1 = arith.constant 0 : i32
    return %c0_i32, %arg0, %c0_i32_0 : i32, i32, i32
  }
  func.func @transform_2(%arg0: i32) -> (i32, i32) {
    %c0_i32 = arith.constant 0 : i32
    %c0_i32_0 = arith.constant 0 : i32
    %c0_i32_1 = arith.constant 0 : i32
    return %c0_i32, %c0_i32_0 : i32, i32
  }
  func.func @transform_3(%arg0: i32) -> (i32, i32) {
    %c0_i32 = arith.constant 0 : i32
    %c0_i32_0 = arith.constant 0 : i32
    %c0_i32_1 = arith.constant 0 : i32
    return %c0_i32, %c0_i32_0 : i32, i32
  }
  func.func @transform_4(%arg0: i32) -> (i32, i32) {
    %c0_i32 = arith.constant 0 : i32
    %c0_i32_0 = arith.constant 0 : i32
    %c0_i32_1 = arith.constant 0 : i32
    return %c0_i32, %c0_i32_0 : i32, i32
  }
  func.func @transform_5(%arg0: i32) -> (i32, i32) {
    %c0_i32 = arith.constant 0 : i32
    %c0_i32_0 = arith.constant 0 : i32
    %c0_i32_1 = arith.constant 0 : i32
    return %c0_i32, %c0_i32_0 : i32, i32
  }
  func.func @transform_7(%arg0: i32) -> (i32, i32) {
    %add3A = arith.constant 0 : i32
    %add3A_0 = arith.addi %arg0, %add3A : i32
    %c0_i32 = arith.constant 0 : i32
    %c0_i32_1 = arith.constant 0 : i32
    return %add3A_0, %c0_i32 : i32, i32
  }
}

module attributes {stable_mosaic.version = 14 : i64} {
  func.func @body(%arg0: i32, %arg1: memref<1x32x64x256xf32, #tpu.memory_space<vmem>>, %arg2: memref<32x256x128xf32, #tpu.memory_space<vmem>>, %arg3: memref<64x128xf32, #tpu.memory_space<vmem>>, %arg4: memref<1x128xf32, #tpu.memory_space<vmem>>, %arg5: memref<128x128xf32, #tpu.memory_space<vmem>>, %arg6: memref<1x128xf32, #tpu.memory_space<vmem>>, %arg7: memref<10000x128xf32, #tpu.memory_space<hbm>>, %arg8: memref<256x128xf32, #tpu.memory_space<vmem>>) attributes {dimension_semantics = [#tpu.dimension_semantics<arbitrary>], iteration_bounds = array<i64: 12>, scalar_prefetch = 0 : i64, scratch_operands = 0 : i64, tpu.core_type = #tpu.core_type<tc>, window_params = [{transform_indices = @transform_0, window_bounds = array<i64: 1, 32, 64, 256>}, {transform_indices = @transform_1, window_bounds = array<i64: 32, 256, 128>}, {pipeline_mode = #tpu.pipeline_mode<synchronous>, transform_indices = @transform_2, window_bounds = array<i64: 64, 128>}, {pipeline_mode = #tpu.pipeline_mode<synchronous>, transform_indices = @transform_3, window_bounds = array<i64: 1, 128>}, {pipeline_mode = #tpu.pipeline_mode<synchronous>, transform_indices = @transform_4, window_bounds = array<i64: 128, 128>}, {pipeline_mode = #tpu.pipeline_mode<synchronous>, transform_indices = @transform_5, window_bounds = array<i64: 1, 128>}, {}, {transform_indices = @transform_7, window_bounds = array<i64: 256, 128>}]} {
    %get3A = arith.constant 0 : index
    %get3A_0 = arith.constant 0 : index
    %get3A_1 = arith.constant 0 : index
    %get3A_2 = arith.constant 0 : index
    %get3A_3 = vector.load %arg1[%get3A, %get3A_0, %get3A_1, %get3A_2] : memref<1x32x64x256xf32, #tpu.memory_space<vmem>>, vector<1x32x64x256xf32>
    %get3A_4 = vector.shape_cast %get3A_3 : vector<1x32x64x256xf32> to vector<32x64x256xf32>
    %get3A_5 = arith.constant 0 : index
    %get3A_6 = arith.constant 0 : index
    %get3A_7 = vector.load %arg3[%get3A_5, %get3A_6] : memref<64x128xf32, #tpu.memory_space<vmem>>, vector<64x128xf32>
    %dot_general3A = arith.constant dense<0.000000e+00> : vector<32x256x128xf32>
    %dot_general3A_8 = tpu.matmul %get3A_4, %get3A_7, %dot_general3A {dimension_numbers = #tpu.dot_dimension_numbers<[1], [0], [0, 2], [1], [0, 0, 0, 2, 1, 1], [], []>, transpose_lhs_hint = false} : vector<32x64x256xf32>, vector<64x128xf32>, vector<32x256x128xf32> -> vector<32x256x128xf32>
    %get3A_9 = arith.constant 0 : index
    %get3A_10 = arith.constant 0 : index
    %get3A_11 = vector.load %arg4[%get3A_9, %get3A_10] : memref<1x128xf32, #tpu.memory_space<vmem>>, vector<1x128xf32>
    %broadcast_in_dim3A = vector.shape_cast %get3A_11 : vector<1x128xf32> to vector<1x1x128xf32>
    %add3A = vector.broadcast %broadcast_in_dim3A : vector<1x1x128xf32> to vector<32x256x128xf32>
    %add3A_12 = arith.addf %dot_general3A_8, %add3A : vector<32x256x128xf32>
    %tanh3A = math.tanh %add3A_12 : vector<32x256x128xf32>
    %get3A_13 = arith.constant 0 : index
    %get3A_14 = arith.constant 0 : index
    %get3A_15 = vector.load %arg5[%get3A_13, %get3A_14] : memref<128x128xf32, #tpu.memory_space<vmem>>, vector<128x128xf32>
    %dot_general3A_16 = arith.constant dense<0.000000e+00> : vector<32x256x128xf32>
    %dot_general3A_17 = tpu.matmul %tanh3A, %get3A_15, %dot_general3A_16 {dimension_numbers = #tpu.dot_dimension_numbers<[2], [0], [0, 1], [1], [0, 0, 0, 1, 1, 1], [], []>, transpose_lhs_hint = false} : vector<32x256x128xf32>, vector<128x128xf32>, vector<32x256x128xf32> -> vector<32x256x128xf32>
    %get3A_18 = arith.constant 0 : index
    %get3A_19 = arith.constant 0 : index
    %get3A_20 = vector.load %arg6[%get3A_18, %get3A_19] : memref<1x128xf32, #tpu.memory_space<vmem>>, vector<1x128xf32>
    %broadcast_in_dim3A_21 = vector.shape_cast %get3A_20 : vector<1x128xf32> to vector<1x1x128xf32>
    %add3A_22 = vector.broadcast %broadcast_in_dim3A_21 : vector<1x1x128xf32> to vector<32x256x128xf32>
    %add3A_23 = arith.addf %dot_general3A_17, %add3A_22 : vector<32x256x128xf32>
    %get3A_24 = arith.constant 0 : index
    %get3A_25 = arith.constant 0 : index
    %get3A_26 = arith.constant 0 : index
    %get3A_27 = vector.load %arg2[%get3A_24, %get3A_25, %get3A_26] : memref<32x256x128xf32, #tpu.memory_space<vmem>>, vector<32x256x128xf32>
    %mul3A = arith.mulf %add3A_23, %get3A_27 : vector<32x256x128xf32>
    %reduce_sum3A = arith.constant dense<0.000000e+00> : vector<256x128xf32>
    %reduce_sum3A_28 = vector.multi_reduction <add>, %mul3A, %reduce_sum3A [0] : vector<32x256x128xf32> to vector<256x128xf32>
    %swap3A = arith.constant 0 : index
    %swap3A_29 = arith.constant 0 : index
    %swap3A_30 = vector.load %arg8[%swap3A, %swap3A_29] : memref<256x128xf32, #tpu.memory_space<vmem>>, vector<256x128xf32>
    tpu.vector_store %arg8[%swap3A, %swap3A_29], %reduce_sum3A_28 {strides = array<i32>} : memref<256x128xf32, #tpu.memory_space<vmem>>, vector<256x128xf32>,
    return
  }
  func.func @transform_0(%arg0: i32) -> (i32, i32, i32, i32) {
    %add3A = arith.constant 22 : i32
    %add3A_0 = arith.addi %arg0, %add3A : i32
    %c0_i32 = arith.constant 0 : i32
    %c0_i32_1 = arith.constant 0 : i32
    %c0_i32_2 = arith.constant 0 : i32
    %c0_i32_3 = arith.constant 0 : i32
    return %c0_i32, %c0_i32_1, %c0_i32_2, %add3A_0 : i32, i32, i32, i32
  }
  func.func @transform_1(%arg0: i32) -> (i32, i32, i32) {
    %c0_i32 = arith.constant 0 : i32
    %c0_i32_0 = arith.constant 0 : i32
    %c0_i32_1 = arith.constant 0 : i32
    return %c0_i32, %arg0, %c0_i32_0 : i32, i32, i32
  }
  func.func @transform_2(%arg0: i32) -> (i32, i32) {
    %c0_i32 = arith.constant 0 : i32
    %c0_i32_0 = arith.constant 0 : i32
    %c0_i32_1 = arith.constant 0 : i32
    return %c0_i32, %c0_i32_0 : i32, i32
  }
  func.func @transform_3(%arg0: i32) -> (i32, i32) {
    %c0_i32 = arith.constant 0 : i32
    %c0_i32_0 = arith.constant 0 : i32
    %c0_i32_1 = arith.constant 0 : i32
    return %c0_i32, %c0_i32_0 : i32, i32
  }
  func.func @transform_4(%arg0: i32) -> (i32, i32) {
    %c0_i32 = arith.constant 0 : i32
    %c0_i32_0 = arith.constant 0 : i32
    %c0_i32_1 = arith.constant 0 : i32
    return %c0_i32, %c0_i32_0 : i32, i32
  }
  func.func @transform_5(%arg0: i32) -> (i32, i32) {
    %c0_i32 = arith.constant 0 : i32
    %c0_i32_0 = arith.constant 0 : i32
    %c0_i32_1 = arith.constant 0 : i32
    return %c0_i32, %c0_i32_0 : i32, i32
  }
  func.func @transform_7(%arg0: i32) -> (i32, i32) {
    %add3A = arith.constant 22 : i32
    %add3A_0 = arith.addi %arg0, %add3A : i32
    %c0_i32 = arith.constant 0 : i32
    %c0_i32_1 = arith.constant 0 : i32
    return %add3A_0, %c0_i32 : i32, i32
  }
}

module attributes {stable_mosaic.version = 14 : i64} {
  func.func @body(%arg0: i32, %arg1: memref<1x32x64x256xf32, #tpu.memory_space<vmem>>, %arg2: memref<32x256x128xf32, #tpu.memory_space<vmem>>, %arg3: memref<64x128xf32, #tpu.memory_space<vmem>>, %arg4: memref<1x128xf32, #tpu.memory_space<vmem>>, %arg5: memref<128x128xf32, #tpu.memory_space<vmem>>, %arg6: memref<1x128xf32, #tpu.memory_space<vmem>>, %arg7: memref<10000x128xf32, #tpu.memory_space<hbm>>, %arg8: memref<256x128xf32, #tpu.memory_space<vmem>>) attributes {dimension_semantics = [#tpu.dimension_semantics<arbitrary>], iteration_bounds = array<i64: 11>, scalar_prefetch = 0 : i64, scratch_operands = 0 : i64, tpu.core_type = #tpu.core_type<tc>, window_params = [{transform_indices = @transform_0, window_bounds = array<i64: 1, 32, 64, 256>}, {transform_indices = @transform_1, window_bounds = array<i64: 32, 256, 128>}, {pipeline_mode = #tpu.pipeline_mode<synchronous>, transform_indices = @transform_2, window_bounds = array<i64: 64, 128>}, {pipeline_mode = #tpu.pipeline_mode<synchronous>, transform_indices = @transform_3, window_bounds = array<i64: 1, 128>}, {pipeline_mode = #tpu.pipeline_mode<synchronous>, transform_indices = @transform_4, window_bounds = array<i64: 128, 128>}, {pipeline_mode = #tpu.pipeline_mode<synchronous>, transform_indices = @transform_5, window_bounds = array<i64: 1, 128>}, {}, {transform_indices = @transform_7, window_bounds = array<i64: 256, 128>}]} {
    %get3A = arith.constant 0 : index
    %get3A_0 = arith.constant 0 : index
    %get3A_1 = arith.constant 0 : index
    %get3A_2 = arith.constant 0 : index
    %get3A_3 = vector.load %arg1[%get3A, %get3A_0, %get3A_1, %get3A_2] : memref<1x32x64x256xf32, #tpu.memory_space<vmem>>, vector<1x32x64x256xf32>
    %get3A_4 = vector.shape_cast %get3A_3 : vector<1x32x64x256xf32> to vector<32x64x256xf32>
    %get3A_5 = arith.constant 0 : index
    %get3A_6 = arith.constant 0 : index
    %get3A_7 = vector.load %arg3[%get3A_5, %get3A_6] : memref<64x128xf32, #tpu.memory_space<vmem>>, vector<64x128xf32>
    %dot_general3A = arith.constant dense<0.000000e+00> : vector<32x256x128xf32>
    %dot_general3A_8 = tpu.matmul %get3A_4, %get3A_7, %dot_general3A {dimension_numbers = #tpu.dot_dimension_numbers<[1], [0], [0, 2], [1], [0, 0, 0, 2, 1, 1], [], []>, transpose_lhs_hint = false} : vector<32x64x256xf32>, vector<64x128xf32>, vector<32x256x128xf32> -> vector<32x256x128xf32>
    %get3A_9 = arith.constant 0 : index
    %get3A_10 = arith.constant 0 : index
    %get3A_11 = vector.load %arg4[%get3A_9, %get3A_10] : memref<1x128xf32, #tpu.memory_space<vmem>>, vector<1x128xf32>
    %broadcast_in_dim3A = vector.shape_cast %get3A_11 : vector<1x128xf32> to vector<1x1x128xf32>
    %add3A = vector.broadcast %broadcast_in_dim3A : vector<1x1x128xf32> to vector<32x256x128xf32>
    %add3A_12 = arith.addf %dot_general3A_8, %add3A : vector<32x256x128xf32>
    %tanh3A = math.tanh %add3A_12 : vector<32x256x128xf32>
    %get3A_13 = arith.constant 0 : index
    %get3A_14 = arith.constant 0 : index
    %get3A_15 = vector.load %arg5[%get3A_13, %get3A_14] : memref<128x128xf32, #tpu.memory_space<vmem>>, vector<128x128xf32>
    %dot_general3A_16 = arith.constant dense<0.000000e+00> : vector<32x256x128xf32>
    %dot_general3A_17 = tpu.matmul %tanh3A, %get3A_15, %dot_general3A_16 {dimension_numbers = #tpu.dot_dimension_numbers<[2], [0], [0, 1], [1], [0, 0, 0, 1, 1, 1], [], []>, transpose_lhs_hint = false} : vector<32x256x128xf32>, vector<128x128xf32>, vector<32x256x128xf32> -> vector<32x256x128xf32>
    %get3A_18 = arith.constant 0 : index
    %get3A_19 = arith.constant 0 : index
    %get3A_20 = vector.load %arg6[%get3A_18, %get3A_19] : memref<1x128xf32, #tpu.memory_space<vmem>>, vector<1x128xf32>
    %broadcast_in_dim3A_21 = vector.shape_cast %get3A_20 : vector<1x128xf32> to vector<1x1x128xf32>
    %add3A_22 = vector.broadcast %broadcast_in_dim3A_21 : vector<1x1x128xf32> to vector<32x256x128xf32>
    %add3A_23 = arith.addf %dot_general3A_17, %add3A_22 : vector<32x256x128xf32>
    %get3A_24 = arith.constant 0 : index
    %get3A_25 = arith.constant 0 : index
    %get3A_26 = arith.constant 0 : index
    %get3A_27 = vector.load %arg2[%get3A_24, %get3A_25, %get3A_26] : memref<32x256x128xf32, #tpu.memory_space<vmem>>, vector<32x256x128xf32>
    %mul3A = arith.mulf %add3A_23, %get3A_27 : vector<32x256x128xf32>
    %reduce_sum3A = arith.constant dense<0.000000e+00> : vector<256x128xf32>
    %reduce_sum3A_28 = vector.multi_reduction <add>, %mul3A, %reduce_sum3A [0] : vector<32x256x128xf32> to vector<256x128xf32>
    %swap3A = arith.constant 0 : index
    %swap3A_29 = arith.constant 0 : index
    %swap3A_30 = vector.load %arg8[%swap3A, %swap3A_29] : memref<256x128xf32, #tpu.memory_space<vmem>>, vector<256x128xf32>
    tpu.vector_store %arg8[%swap3A, %swap3A_29], %reduce_sum3A_28 {strides = array<i32>} : memref<256x128xf32, #tpu.memory_space<vmem>>, vector<256x128xf32>,
    return
  }
  func.func @transform_0(%arg0: i32) -> (i32, i32, i32, i32) {
    %add3A = arith.constant 11 : i32
    %add3A_0 = arith.addi %arg0, %add3A : i32
    %c0_i32 = arith.constant 0 : i32
    %c0_i32_1 = arith.constant 0 : i32
    %c0_i32_2 = arith.constant 0 : i32
    %c0_i32_3 = arith.constant 0 : i32
    return %c0_i32, %c0_i32_1, %c0_i32_2, %add3A_0 : i32, i32, i32, i32
  }
  func.func @transform_1(%arg0: i32) -> (i32, i32, i32) {
    %c0_i32 = arith.constant 0 : i32
    %c0_i32_0 = arith.constant 0 : i32
    %c0_i32_1 = arith.constant 0 : i32
    return %c0_i32, %arg0, %c0_i32_0 : i32, i32, i32
  }
  func.func @transform_2(%arg0: i32) -> (i32, i32) {
    %c0_i32 = arith.constant 0 : i32
    %c0_i32_0 = arith.constant 0 : i32
    %c0_i32_1 = arith.constant 0 : i32
    return %c0_i32, %c0_i32_0 : i32, i32
  }
  func.func @transform_3(%arg0: i32) -> (i32, i32) {
    %c0_i32 = arith.constant 0 : i32
    %c0_i32_0 = arith.constant 0 : i32
    %c0_i32_1 = arith.constant 0 : i32
    return %c0_i32, %c0_i32_0 : i32, i32
  }
  func.func @transform_4(%arg0: i32) -> (i32, i32) {
    %c0_i32 = arith.constant 0 : i32
    %c0_i32_0 = arith.constant 0 : i32
    %c0_i32_1 = arith.constant 0 : i32
    return %c0_i32, %c0_i32_0 : i32, i32
  }
  func.func @transform_5(%arg0: i32) -> (i32, i32) {
    %c0_i32 = arith.constant 0 : i32
    %c0_i32_0 = arith.constant 0 : i32
    %c0_i32_1 = arith.constant 0 : i32
    return %c0_i32, %c0_i32_0 : i32, i32
  }
  func.func @transform_7(%arg0: i32) -> (i32, i32) {
    %add3A = arith.constant 11 : i32
    %add3A_0 = arith.addi %arg0, %add3A : i32
    %c0_i32 = arith.constant 0 : i32
    %c0_i32_1 = arith.constant 0 : i32
    return %add3A_0, %c0_i32 : i32, i32
  }
}

module attributes {stable_mosaic.version = 14 : i64} {
  func.func @body(%arg0: i32, %arg1: memref<1x32x64x256xf32, #tpu.memory_space<vmem>>, %arg2: memref<32x256x128xf32, #tpu.memory_space<vmem>>, %arg3: memref<64x128xf32, #tpu.memory_space<vmem>>, %arg4: memref<1x128xf32, #tpu.memory_space<vmem>>, %arg5: memref<128x128xf32, #tpu.memory_space<vmem>>, %arg6: memref<1x128xf32, #tpu.memory_space<vmem>>, %arg7: memref<10000x128xf32, #tpu.memory_space<hbm>>, %arg8: memref<256x128xf32, #tpu.memory_space<vmem>>) attributes {dimension_semantics = [#tpu.dimension_semantics<arbitrary>], iteration_bounds = array<i64: 6>, scalar_prefetch = 0 : i64, scratch_operands = 0 : i64, tpu.core_type = #tpu.core_type<tc>, window_params = [{transform_indices = @transform_0, window_bounds = array<i64: 1, 32, 64, 256>}, {transform_indices = @transform_1, window_bounds = array<i64: 32, 256, 128>}, {pipeline_mode = #tpu.pipeline_mode<synchronous>, transform_indices = @transform_2, window_bounds = array<i64: 64, 128>}, {pipeline_mode = #tpu.pipeline_mode<synchronous>, transform_indices = @transform_3, window_bounds = array<i64: 1, 128>}, {pipeline_mode = #tpu.pipeline_mode<synchronous>, transform_indices = @transform_4, window_bounds = array<i64: 128, 128>}, {pipeline_mode = #tpu.pipeline_mode<synchronous>, transform_indices = @transform_5, window_bounds = array<i64: 1, 128>}, {}, {transform_indices = @transform_7, window_bounds = array<i64: 256, 128>}]} {
    %get3A = arith.constant 0 : index
    %get3A_0 = arith.constant 0 : index
    %get3A_1 = arith.constant 0 : index
    %get3A_2 = arith.constant 0 : index
    %get3A_3 = vector.load %arg1[%get3A, %get3A_0, %get3A_1, %get3A_2] : memref<1x32x64x256xf32, #tpu.memory_space<vmem>>, vector<1x32x64x256xf32>
    %get3A_4 = vector.shape_cast %get3A_3 : vector<1x32x64x256xf32> to vector<32x64x256xf32>
    %get3A_5 = arith.constant 0 : index
    %get3A_6 = arith.constant 0 : index
    %get3A_7 = vector.load %arg3[%get3A_5, %get3A_6] : memref<64x128xf32, #tpu.memory_space<vmem>>, vector<64x128xf32>
    %dot_general3A = arith.constant dense<0.000000e+00> : vector<32x256x128xf32>
    %dot_general3A_8 = tpu.matmul %get3A_4, %get3A_7, %dot_general3A {dimension_numbers = #tpu.dot_dimension_numbers<[1], [0], [0, 2], [1], [0, 0, 0, 2, 1, 1], [], []>, transpose_lhs_hint = false} : vector<32x64x256xf32>, vector<64x128xf32>, vector<32x256x128xf32> -> vector<32x256x128xf32>
    %get3A_9 = arith.constant 0 : index
    %get3A_10 = arith.constant 0 : index
    %get3A_11 = vector.load %arg4[%get3A_9, %get3A_10] : memref<1x128xf32, #tpu.memory_space<vmem>>, vector<1x128xf32>
    %broadcast_in_dim3A = vector.shape_cast %get3A_11 : vector<1x128xf32> to vector<1x1x128xf32>
    %add3A = vector.broadcast %broadcast_in_dim3A : vector<1x1x128xf32> to vector<32x256x128xf32>
    %add3A_12 = arith.addf %dot_general3A_8, %add3A : vector<32x256x128xf32>
    %tanh3A = math.tanh %add3A_12 : vector<32x256x128xf32>
    %get3A_13 = arith.constant 0 : index
    %get3A_14 = arith.constant 0 : index
    %get3A_15 = vector.load %arg5[%get3A_13, %get3A_14] : memref<128x128xf32, #tpu.memory_space<vmem>>, vector<128x128xf32>
    %dot_general3A_16 = arith.constant dense<0.000000e+00> : vector<32x256x128xf32>
    %dot_general3A_17 = tpu.matmul %tanh3A, %get3A_15, %dot_general3A_16 {dimension_numbers = #tpu.dot_dimension_numbers<[2], [0], [0, 1], [1], [0, 0, 0, 1, 1, 1], [], []>, transpose_lhs_hint = false} : vector<32x256x128xf32>, vector<128x128xf32>, vector<32x256x128xf32> -> vector<32x256x128xf32>
    %get3A_18 = arith.constant 0 : index
    %get3A_19 = arith.constant 0 : index
    %get3A_20 = vector.load %arg6[%get3A_18, %get3A_19] : memref<1x128xf32, #tpu.memory_space<vmem>>, vector<1x128xf32>
    %broadcast_in_dim3A_21 = vector.shape_cast %get3A_20 : vector<1x128xf32> to vector<1x1x128xf32>
    %add3A_22 = vector.broadcast %broadcast_in_dim3A_21 : vector<1x1x128xf32> to vector<32x256x128xf32>
    %add3A_23 = arith.addf %dot_general3A_17, %add3A_22 : vector<32x256x128xf32>
    %get3A_24 = arith.constant 0 : index
    %get3A_25 = arith.constant 0 : index
    %get3A_26 = arith.constant 0 : index
    %get3A_27 = vector.load %arg2[%get3A_24, %get3A_25, %get3A_26] : memref<32x256x128xf32, #tpu.memory_space<vmem>>, vector<32x256x128xf32>
    %mul3A = arith.mulf %add3A_23, %get3A_27 : vector<32x256x128xf32>
    %reduce_sum3A = arith.constant dense<0.000000e+00> : vector<256x128xf32>
    %reduce_sum3A_28 = vector.multi_reduction <add>, %mul3A, %reduce_sum3A [0] : vector<32x256x128xf32> to vector<256x128xf32>
    %swap3A = arith.constant 0 : index
    %swap3A_29 = arith.constant 0 : index
    %swap3A_30 = vector.load %arg8[%swap3A, %swap3A_29] : memref<256x128xf32, #tpu.memory_space<vmem>>, vector<256x128xf32>
    tpu.vector_store %arg8[%swap3A, %swap3A_29], %reduce_sum3A_28 {strides = array<i32>} : memref<256x128xf32, #tpu.memory_space<vmem>>, vector<256x128xf32>,
    return
  }
  func.func @transform_0(%arg0: i32) -> (i32, i32, i32, i32) {
    %add3A = arith.constant 34 : i32
    %add3A_0 = arith.addi %arg0, %add3A : i32
    %c0_i32 = arith.constant 0 : i32
    %c0_i32_1 = arith.constant 0 : i32
    %c0_i32_2 = arith.constant 0 : i32
    %c0_i32_3 = arith.constant 0 : i32
    return %c0_i32, %c0_i32_1, %c0_i32_2, %add3A_0 : i32, i32, i32, i32
  }
  func.func @transform_1(%arg0: i32) -> (i32, i32, i32) {
    %c0_i32 = arith.constant 0 : i32
    %c0_i32_0 = arith.constant 0 : i32
    %c0_i32_1 = arith.constant 0 : i32
    return %c0_i32, %arg0, %c0_i32_0 : i32, i32, i32
  }
  func.func @transform_2(%arg0: i32) -> (i32, i32) {
    %c0_i32 = arith.constant 0 : i32
    %c0_i32_0 = arith.constant 0 : i32
    %c0_i32_1 = arith.constant 0 : i32
    return %c0_i32, %c0_i32_0 : i32, i32
  }
  func.func @transform_3(%arg0: i32) -> (i32, i32) {
    %c0_i32 = arith.constant 0 : i32
    %c0_i32_0 = arith.constant 0 : i32
    %c0_i32_1 = arith.constant 0 : i32
    return %c0_i32, %c0_i32_0 : i32, i32
  }
  func.func @transform_4(%arg0: i32) -> (i32, i32) {
    %c0_i32 = arith.constant 0 : i32
    %c0_i32_0 = arith.constant 0 : i32
    %c0_i32_1 = arith.constant 0 : i32
    return %c0_i32, %c0_i32_0 : i32, i32
  }
  func.func @transform_5(%arg0: i32) -> (i32, i32) {
    %c0_i32 = arith.constant 0 : i32
    %c0_i32_0 = arith.constant 0 : i32
    %c0_i32_1 = arith.constant 0 : i32
    return %c0_i32, %c0_i32_0 : i32, i32
  }
  func.func @transform_7(%arg0: i32) -> (i32, i32) {
    %add3A = arith.constant 34 : i32
    %add3A_0 = arith.addi %arg0, %add3A : i32
    %c0_i32 = arith.constant 0 : i32
    %c0_i32_1 = arith.constant 0 : i32
    return %add3A_0, %c0_i32 : i32, i32
  }
}

</mosaic_0001>

<sc_bundles>
// kernel: kernel.10.cloned.1.call-start
scs
__scs_entry_jumppad:
0x0: {  	(pc) =	sbr.rel $0x88, $3  }
0x1: {  	(tag) =	ssettag $0x0;
	lr =	simm.s32 $0x1  }
0x2: {  	[smem:$0x3F9A] =	sst lr;
	_ =	strace $0xD0000000  }
0x3: {  	_ = 	snop  }
0x4: {  	_ = 	snop  }
0x5: {  	_ = 	snop  }
0x6: {  	_ = 	snop  }
0x7: {  	_ = 	snop  }
__scs_overlays_trampoline_lowered:
0x8: {  	[smem:$0x3FA9] =	sst s0  }
0x9: {  	[smem:$0x3FAA] =	sst s1  }
0xa: {  	[smem:$0x3FAB] =	sst s2  }
0xb: {  	[smem:$0x3FAC] =	sst s3  }
0xc: {  	[smem:$0x3FAD] =	sst s4  }
0xd: {  	[smem:$0x3FAE] =	sst s5  }
0xe: {  	[smem:$0x3FAF] =	sst s6  }
0xf: {  	[smem:$0x3FB0] =	sst s7  }
0x10: {  	[smem:$0x3FB1] =	sst s8  }
0x11: {  	[smem:$0x3FB2] =	sst s9;
	s0 =	simm.s32 @!p0 $0x0  }
0x12: {  	s1 =	sld [smem:$0x3F98];
	s0 =	simm.s32 @p0 $0x1  }
0x13: {  	[smem:$0x3FB3] =	sst s0;
	s0 =	simm.s32 @!p1 $0x0  }
0x14: {  	s2 =	sld [smem:$0x3F97];
	s0 =	simm.s32 @p1 $0x1  }
0x15: {  	[smem:$0x3FB4] =	sst s0;
	s0 =	simm.s32 @!p2 $0x0  }
0x16: {  	s3 =	sld [smem:$0x3FDB];
	s0 =	simm.s32 @p2 $0x1  }
0x17: {  	s4 =	simm.s32 $0x1BF5;
	[smem:$0x3FB6] =	sst s0  }
0x18: {  	s0 =	sld [smem:$0x3F99];
	_ =	swait.ge [sflag:s4], $0x0  }
0x19: {  	s7 =	sld [smem:$0x3F9A]  }
0x1a: {  	s8 =	sadd.s32 $0xFFFFE003, lr  }
0x1b: {  	s9 =	sadd.s32 $0xFFFFFEF7, lr;
	s5 =	simm.s32 $0xFFFFFFFF;
	p2 =	slt.u32 s8, $0xFFFFF086  }
0x1c: {  	p1 =	slt.u32 s9, $0xF7A;
	s5 =	simm.s32 @!p2 $0x0  }
0x1d: {  	s5 =	simm.s32 @p1 $0x1;
	p0 =	seq.s32 s7, s2  }
0x1e: {  	s7 =	smul.u32 @!p0 $0xF7A, s2;
	p2 =	seq.s32 @!p0 s5, $0x0  }
0x1f: {  	s9 =	smul.u32 $0xF7A, s1;
	s8 =	simm.s32 @!p0 $0x1BF5;
	p2 =	por !p2, p0  }
0x20: {  	[sflag:s8] =	ssyncset.s32 @!p0 $0xFFFFF086;
	s6 =	sadd.s32 @!p0 s3, s7;
	s7 =	simm.s32 @!p0 $0x108  }
0x21: {  	s3 =	sadd.s32 s3, s9;
	s6 =	sadd.s32 @!p0 $0x88, s6;
	s7 =	simm.s32 @p2 $0x1082  }
0x22: {  	[simem:s7], [sflag:s8] =	dma.local @!p0 [hbm:s6], $0xF7A  }
0x23: {  	s9 =	sor.u32 $0xD0000000, s2;
	s6 =	simm.s32 $0x108;
	_ =	swait.ge @!p0 [sflag:s8], $0x0  }
0x24: {  	s3 =	sadd.s32 $0x88, s3;
	s6 =	simm.s32 @!p1 $0x1082;
	[sflag:s4] =	ssyncset.s32 $0xFFFFF086  }
0x25: {  	[simem:s6], [sflag:s4] =	dma.local [hbm:s3], $0xF7A  }
0x26: {  	[smem:$0x3F9A] =	sst s1;
	(tag) =	ssettag s2;
	_ =	strace s9  }
0x27: {  	s1 =	sld [smem:$0x3FAA]  }
0x28: {  	s2 =	sld [smem:$0x3FAB]  }
0x29: {  	s4 =	sld [smem:$0x3FAD]  }
0x2a: {  	p0 =	seq.s32 s5, $0x0;
	s5 =	sld [smem:$0x3FAE]  }
0x2b: {  	s6 =	sld [smem:$0x3FAF]  }
0x2c: {  	s7 =	sld [smem:$0x3FB0]  }
0x2d: {  	s3 =	simm.s32 $0x108;
	s8 =	sld [smem:$0x3FB1]  }
0x2e: {  	s3 =	simm.s32 @!p0 $0x1082;
	s9 =	sld [smem:$0x3FB2]  }
0x2f: {  	lr =	sadd.s32 s0, s3;
	s0 =	sld [smem:$0x3FA9]  }
0x30: {  	s3 =	sld [smem:$0x3FAC]  }
0x31: {  	[smem:$0x3FB5] =	sst s10  }
0x32: {  	s10 =	sld [smem:$0x3FB3];
	_ =	sdelay $0x3  }
0x33: {  	p0 =	seq.s32 s10, $0x1;
	s10 =	sld [smem:$0x3FB5];
	_ =	sdelay $0x3  }
0x34: {  	[smem:$0x3FB5] =	sst s10  }
0x35: {  	s10 =	sld [smem:$0x3FB4];
	_ =	sdelay $0x3  }
0x36: {  	p1 =	seq.s32 s10, $0x1;
	s10 =	sld [smem:$0x3FB5];
	_ =	sdelay $0x3  }
0x37: {  	[smem:$0x3FB5] =	sst s10  }
0x38: {  	s10 =	sld [smem:$0x3FB6]  }
0x39: {  	_ = 	snop;
	(pc) =	sbr.ind lr, $3  }
0x3a: {  	_ = 	snop  }
0x3b: {  	_ = 	snop  }
0x3c: {  	p2 =	seq.s32 s10, $0x1;
	s10 =	sld [smem:$0x3FB5]  }
0x3d: {  	_ =	shalt  }
0x3e: {  	_ =	shalt  }
0x3f: {  	_ =	shalt  }
0x40: {  	_ =	shalt  }
0x41: {  	_ =	shalt  }
0x42: {  	_ =	shalt  }
0x43: {  	_ =	shalt  }
0x44: {  	_ =	shalt  }
0x45: {  	_ =	shalt  }
0x46: {  	_ =	shalt  }
0x47: {  	_ =	shalt  }
0x48: {  	_ =	shalt  }
0x49: {  	_ =	shalt  }
0x4a: {  	_ =	shalt  }
0x4b: {  	_ =	shalt  }
0x4c: {  	_ =	shalt  }
0x4d: {  	_ =	shalt  }
0x4e: {  	_ =	shalt  }
0x4f: {  	_ =	shalt  }
0x50: {  	_ =	shalt  }
0x51: {  	_ =	shalt  }
0x52: {  	_ =	shalt  }
0x53: {  	_ =	shalt  }
0x54: {  	_ =	shalt  }
0x55: {  	_ =	shalt  }
0x56: {  	_ =	shalt  }
0x57: {  	_ =	shalt  }
0x58: {  	_ =	shalt  }
0x59: {  	_ =	shalt  }
0x5a: {  	_ =	shalt  }
0x5b: {  	_ =	shalt  }
0x5c: {  	_ =	shalt  }
0x5d: {  	_ =	shalt  }
0x5e: {  	_ =	shalt  }
0x5f: {  	_ =	shalt  }
0x60: {  	_ =	shalt  }
0x61: {  	_ =	shalt  }
0x62: {  	_ =	shalt  }
0x63: {  	_ =	shalt  }
0x64: {  	_ =	shalt  }
0x65: {  	_ =	shalt  }
0x66: {  	_ =	shalt  }
0x67: {  	_ =	shalt  }
0x68: {  	_ =	shalt  }
0x69: {  	_ =	shalt  }
0x6a: {  	_ =	shalt  }
0x6b: {  	_ =	shalt  }
0x6c: {  	_ =	shalt  }
0x6d: {  	_ =	shalt  }
0x6e: {  	_ =	shalt  }
0x6f: {  	_ =	shalt  }
0x70: {  	_ =	shalt  }
0x71: {  	_ =	shalt  }
0x72: {  	_ =	shalt  }
0x73: {  	_ =	shalt  }
0x74: {  	_ =	shalt  }
0x75: {  	_ =	shalt  }
0x76: {  	_ =	shalt  }
0x77: {  	_ =	shalt  }
0x78: {  	_ =	shalt  }
0x79: {  	_ =	shalt  }
0x7a: {  	_ =	shalt  }
0x7b: {  	_ =	shalt  }
0x7c: {  	_ =	shalt  }
0x7d: {  	_ =	shalt  }
0x7e: {  	_ =	shalt  }
0x7f: {  	_ =	shalt  }
0x80: {  	_ =	shalt  }
0x81: {  	_ =	shalt  }
0x82: {  	_ =	shalt  }
0x83: {  	_ =	shalt  }
0x84: {  	_ =	shalt  }
0x85: {  	_ =	shalt  }
0x86: {  	_ =	shalt  }
0x87: {  	_ =	shalt  }
.Lfunc_end0:
.L_simem_size_0:
called_computation_lowered:
.L_overlay_start_0:
0x88: {  	s2 =	sld [smem:$0x3FD9]  }
0x89: {  	s3 =	sld [smem:$0x3FFE];
	_ =	sdelay $0x1  }
0x8a: {  	s1 =	srdreg.scid  }
0x8b: {  	s0 =	sand.u32 $0x1, s1  }
0x8c: {  	s17 =	sshll.u32 s0, $0xA;
	s2 =	sadd.s32 s3, s2  }
0x8d: {  	s2 =	sadd.s32 s2, s17  }
0x8e: {  	[smem:$0x3FC1] =	sst s2  }
0x8f: {  	_ = 	snop  }
0x90: {  	s2 =	sld [smem:$0x3FC9];
	(tm) =	ssettm $0x1  }
0x91: {  	s18 =	sld [smem:$0x3FFB];
	_ =	sdelay $0x3  }
0x92: {  	_ =	strace s18  }
0x93: {  	s3 =	sld [smem:$0x3FFC];
	_ =	sdelay $0x3  }
0x94: {  	_ =	strace s3  }
0x95: {  	s3 =	sld [smem:$0x3FFD];
	_ =	sdelay $0x3  }
0x96: {  	_ =	strace s3  }
0x97: {  	_ =	strace $0x8FFFFFFF  }
0x98: {  	s19 =	sld [smem:$0x3FDB];
	_ =	sdelay $0x1  }
0x99: {  	s4 =	simm.s32 $_scs_section_size  }
0x9a: {  	s5 =	simm.s32 $_size__tile_overlayer_lowered;
	s6 =	simm.s32 $_tile_overlayer_lowered  }
0x9b: {  	s22 =	simm.s32 $0x1BFF;
	s21 =	sshll.u32 s6, $0x1;
	s3 =	sadd.s32 s4, s19  }
0x9c: {  	s7 =	simm.s32 $0x0;
	s20 =	sshll.u32 s5, $0x1;
	s5 =	sadd.s32 s21, s3  }
0x9d: {  	[timem:s7], [sflag:s22] =	dma.local [hbm:s5], s20  }
0x9e: {  	_ =	swait.ge [sflag:s22], s20  }
0x9f: {  	s4 =	ssub.s32 $0x0, s20;
	[sflag:s22] =	ssyncset.done $0x0  }
0xa0: {  	[sflag:s22] =	ssyncadd.s32 s4;
	_ =	sdelay $0x1  }
0xa1: {  	s23 =	simm.s32 $0x1B8B  }
0xa2: {  	_ =	swait.ge [sflag:s23], $0x1  }
0xa3: {  	[sflag:s23] =	ssyncset.done $0x0  }
0xa4: {  	s25 =	simm.s32 $0x1B8E;
	s24 =	sld [smem:$0x3FFE];
	[sflag:s23] =	ssyncadd.s32 $0xFFFFFFFF  }
0xa5: {  	s26 =	simm.s32 $execute0_lowered;
	[smem:$0x3FD2] =	sst s25  }
0xa6: {  	s5 =	sshll.u32 s26, $0x1;
	_ =	strace $0x80000046;
	[dreg:$0x1] =	wrdreg $0xFFFFFFFF  }
0xa7: {  	s28 =	simm.s32 $_size_execute0_lowered;
	s3 =	sadd.s32 s3, s5;
	[dreg:$0x0] =	wrdreg $0x0  }
0xa8: {  	s5 =	sshll.u32 s28, $0x1;
	[dreg:$0x2] =	wrdreg s3  }
0xa9: {  	[dreg:$0x3] =	wrdreg s5  }
0xaa: {  	[dreg:$0x4] =	wrdreg $0xC0  }
0xab: {  	_ =	task [dreg:s7], $0x5FFFF  }
0xac: {  	[dreg:$0x1] =	wrdreg $0xFFFFFFFF  }
0xad: {  	[dreg:$0x0] =	wrdreg $0x60  }
0xae: {  	[dreg:$0x2] =	wrdreg s2  }
0xaf: {  	[dreg:$0x3] =	wrdreg s24  }
0xb0: {  	[dreg:$0x4] =	wrdreg $0x8B000  }
0xb1: {  	[dreg:$0x5] =	wrdreg $0x9  }
0xb2: {  	_ =	task.clear_ibuf [dreg:s7], $0x6FFFF;
	_ =	strace $0x90000046  }
0xb3: {  	s29 =	simm.s32 $0x9;
	_ =	strace $0x80000048  }
0xb4: {  	_ =	swait.ge [sflag:s29], $0x1  }
0xb5: {  	[sflag:s29] =	ssyncadd.s32 $0xFFFFFFFF  }
0xb6: {  	_ =	strace $0x90000048  }
0xb7: {  	_ =	sfence  }
0xb8: {  	s30 =	sld [smem:$0x0];
	_ =	sdelay $0x2  }
0xb9: {  	s31 =	sshll.u32 s1, $0xD;
	s1 =	sshrl.u32 s1, $0x2  }
0xba: {  	s3 =	sand.u32 $0x4000, s31;
	s1 =	sadd.s32 s1, s30  }
0xbb: {  	s0 =	sor.u32 s3, s0;
	s1 =	sshll.u32 s1, $0x11  }
0xbc: {  	s0 =	sor.u32 s1, s0  }
0xbd: {  	s0 =	sadd.s32 $0x8F2B, s0  }
0xbe: {  	[sflag:s0] =	ssyncadd.remote.s32 $0x1  }
0xbf: {  	_ =	sfence.sel $0xFFFF  }
0xc0: {  	[dreg:$0x0] =	wrdreg $0xFFFFFFFF;
	(pc) =	sbr.abs _section_cstart, $3  }
0xc1: {  	[dreg:$0x1] =	wrdreg $0xFFFFFFFF  }
0xc2: {  	_ =	task.clear_ibuf [dreg:s7], $0x2FFFF;
	_ =	strace $0x9FFFFFFF  }
0xc3: {  	(tm) =	ssettm $0x7FFFFFFF  }
tec
execute0_lowered:
.L_overlay_start_1:
0x0: {  	(tag) =	ssettag $0x1  }
0x1: {  	s5 =	rddreg [dreg:$0x0]  }
0x2: {  	s0 =	srdreg.scid;
	s4 =	rddreg [dreg:$0x1]  }
0x3: {  	s9 =	stileid.u32;
	s1 =	rddreg [dreg:$0x2]  }
0x4: {  	s2 =	simm.s32 $0x0;
	s13 =	simm.s32 $0x80;
	s14 =	simm.s32 $0x1  }
0x5: {  	s15 =	simm.s32 $0x2;
	s16 =	simm.s32 $0x0;
	s7 =	smul.u32 $0xB0000, s9  }
0x6: {  	s3 =	sand.u32 $0x1, s0;
	s25 =	sshll.u32 s9, $0x1;
	s26 =	smul.u32 $0x4E000, s9  }
0x7: {  	[smem:$0x7FF] =	sst s2;
	s11 =	smul.u32 $0x2700, s9;
	s31 =	sshll.u32 s9, $0x6  }
0x8: {  	p0 =	sne.s32 s9, $0x0;
	s0 =	sor.u32 s3, s25;
	s8 =	smul.u32 $0x58000, s3  }
0x9: {  	s3 =	ssub.s32 $0x2, s3;
	s6 =	smul.u32 $0x4E2, s0;
	s0 =	rddreg [dreg:$0x3]  }
0xa: {  	_ =	strace $0x80000047;
	s10 =	sshrl.u32 s3, $0x1;
	s29 =	sshrl.u32 s26, $0x2  }
0xb: {  	s7 =	sadd.s32 s8, s7;
	s28 =	ssub.s32 s3, s10;
	s30 =	sadd.s32 s29, s1  }
.Ltmp0:
0xc: {  	s3 =	sadd.s32 s5, s11;
	s11 =	sadd.s32 $0x138000, s1;
	(pc) =	sbr.rel .LBB2_1-.Ltmp0, $4  }
0xd: {  	s5 =	sadd.s32 $0x27000, s5;
	s10 =	simm.s32 $0x3;
	s6 =	sadd.s32 s6, s4  }
0xe: {  	s7 =	sshrl.u32 s7, $0x3;
	s9 =	sshrl.u32 s30, $0x3;
	s11 =	sshrl.u32 @!p0 s11, $0x3  }
0xf: {  	s12 =	sadd.s32 s7, s4;
	s4 =	sor.u32 $0x1C03, s31;
	s6 =	sadd.s32 $0x1A00, s6  }
0x10: {  	s7 =	smax.u32 s28, $0x1;
	s8 =	sadd.s32 $0xB800, s12;
	s12 =	simm.s32 $0xB00  }
.LBB2_7:
0x11: {  	s16 =	sadd.s32 $0x1, s16  }
0x12: {  	_ =	swait.ge [sflag:s15], $0x4000;
	p1 =	sne.s32 s16, s7  }
.Ltmp1:
0x13: {  	[sflag:s15] =	ssyncset.done $0x0;
	(pc) =	sbr.rel @!p1 .LBB2_8-.Ltmp1, $4  }
0x14: {  	[sflag:s15] =	ssyncadd.s32 $0xFFFFC000  }
0x15: {  	_ =	swait.ge [sflag:s15], $0x4000  }
0x16: {  	[sflag:s15] =	ssyncset.done $0x0  }
0x17: {  	[sflag:s15] =	ssyncadd.s32 $0xFFFFC000  }
.LBB2_1:
0x18: {  	[spmem:s9], [sflag:s4] =	dma.local [hbm:s3], $0x2700  }
0x19: {  	_ =	swait.ge [sflag:s10], $0x2700  }
0x1a: {  	[sflag:s10] =	ssyncset.done $0x0  }
0x1b: {  	s17 =	simm.s32 @!p0 $0x3;
	[sflag:s10] =	ssyncadd.s32 $0xFFFFD900  }
0x1c: {  	[spmem:s11], [sflag:s4] =	dma.local @!p0 [hbm:s5], $0x100  }
0x1d: {  	_ =	swait.ge @!p0 [sflag:s17], $0x100  }
0x1e: {  	[sflag:s17] =	ssyncset.done @!p0 $0x0  }
0x1f: {  	[sflag:s17] =	ssyncadd.s32 @!p0 $0xFFFFFF00  }
0x20: {  	[tilespmem:s2], [sflag:$0x3] =	stream.linear.gather [hbm4b:s6+s2], $0xB00, $0x38;
	[tilespmem:$0x1C380] =	vst v63  }
.Ltmp2:
0x21: {  	_ =	swait.ge [sflag:s10], $0xB00;
	(pc) =	sbr.rel .LBB2_2-.Ltmp2, $4  }
0x22: {  	[sflag:s10] =	ssyncset.done $0x0  }
0x23: {  	s18 =	simm.s32 $0x80;
	s19 =	smov.u32 s8;
	[sflag:s10] =	ssyncadd.s32 $0xFFFFF500  }
0x24: {  	s20 =	simm.s32 $0x0;
	s17 =	simm.s32 $0x10000;
	[bflag:$0x0] =	sbarrier.arrive $0xFFFF  }
0x25: {  	[tilespmem:s12], [sflag:$0x1] =	stream.indirect.gather [spmem:s1], $0x80, s2, s13, $0xb8;
	[tilespmem:$0x1C380] =	vst v63  }
.LBB2_5:
0x26: {  	s21 =	sand.u32 $0x10000, s17  }
0x27: {  	s21 =	sshrl.u32 s21, $0x2  }
0x28: {  	s21 =	sor.u32 $0xB00, s21  }
0x29: {  	[tilespmem:s21], [sflag:$0x1] =	stream.indirect.gather [spmem:s1], $0x80, s18, s13, $0xb8;
	[tilespmem:$0x1C380] =	vst v63  }
.LBB2_6:
0x2a: {  	s20 =	sadd.s32 $0x1, s20  }
0x2b: {  	s21 =	sadd.s32 $0xFFFF0000, s17;
	p1 =	sne.s32 s20, $0x16  }
.Ltmp3:
0x2c: {  	_ =	swait.ge [sflag:s14], $0x4000;
	s21 =	sand.u32 $0x10000, s21;
	(pc) =	sbr.rel @!p1 .LBB2_7-.Ltmp3, $4  }
0x2d: {  	[sflag:s14] =	ssyncset.done $0x0;
	s21 =	sshrl.u32 s21, $0x2  }
0x2e: {  	[sflag:s14] =	ssyncadd.s32 $0xFFFFC000;
	s21 =	sor.u32 $0xB00, s21  }
0x2f: {  	[hbm4b:s19+s2] =	stream.linear.scatter [tilespmem:s21], [sflag:$0x2], $0x4000, $0x38;
	[tilespmem:$0x1C380] =	vst v63  }
0x30: {  	s17 =	sadd.s32 $0x10000, s17;
	s18 =	sadd.s32 $0x80, s18;
	s19 =	sadd.s32 $0x800, s19  }
.LBB2_2:
0x31: {  	p1 =	seq.s32 s20, $0x0  }
.Ltmp4:
0x32: {  	_ = 	snop;
	(pc) =	sbr.rel @p1 .LBB2_5-.Ltmp4, $1  }
0x33: {  	_ =	sdelay $0x3  }
0x34: {  	p1 =	seq.s32 s20, $0x15  }
.Ltmp5:
0x35: {  	_ = 	snop;
	(pc) =	sbr.rel @p1 .LBB2_6-.Ltmp5, $1  }
0x36: {  	_ =	sdelay $0x3  }
.Ltmp6:
0x37: {  	(pc) =	sbr.rel .LBB2_5-.Ltmp6, $4  }
0x38: {  	_ = 	snop  }
0x39: {  	_ =	swait.ge [sflag:s15], $0x4000  }
0x3a: {  	[sflag:s15] =	ssyncset.done $0x0  }
0x3b: {  	[sflag:s15] =	ssyncadd.s32 $0xFFFFC000  }
.LBB2_8:
0x3c: {  	_ =	sfence.sel $0x180000  }
0x3d: {  	[bflag:$0x0] =	sbarrier.arrive $0xFFFF  }
0x3e: {  	_ =	strace $0x90000047  }
0x3f: {  	s0 =	sadd.s32 @!p0 $0x100000, s0;
	[bflag:$0x2] =	sbarrier.arrive $0xFFFF  }
0x40: {  	[sflag:s0] =	ssyncadd.tile.s32 @!p0 $0x1;
	_ =	shalt  }
.Lfunc_end2:
_tile_overlayer_lowered:
.L_overlay_start_2:
0x41: {  	(tag) =	ssettag $0x2  }
0x42: {  	s0 =	rddreg [dreg:$0x0];
	s2 =	stileid.u32  }
0x43: {  	s1 =	rddreg [dreg:$0x1];
	p0 =	sne.s32 s2, $0x0  }
0x44: {  	s3 =	rddreg [dreg:$0x2];
	[bflag:$0x3] =	sbarrier.arrive $0xFFFF;
	s2 =	simm.s32 @!p0 $0x1C03  }
0x45: {  	[timem:s3], [sflag:s2] =	dma.local @!p0 [hbm:s0], s1  }
0x46: {  	s0 =	simm.s32 @!p0 $0x3  }
0x47: {  	_ =	swait.ge @!p0 [sflag:s0], s1  }
0x48: {  	s1 =	ssub.s32 @!p0 $0x0, s1;
	[sflag:s0] =	ssyncset.done @!p0 $0x0  }
0x49: {  	[sflag:s0] =	ssyncadd.s32 @!p0 s1  }
0x4a: {  	[bflag:$0x3] =	sbarrier.arrive $0xFFFF  }
0x4b: {  	_ =	shalt  }

// kernel: kernel.13.cloned.1.call-start
scs
__scs_entry_jumppad:
0x0: {  	(pc) =	sbr.rel $0x88, $3  }
0x1: {  	(tag) =	ssettag $0x0;
	lr =	simm.s32 $0x1  }
0x2: {  	[smem:$0x3F9A] =	sst lr;
	_ =	strace $0xD0000000  }
0x3: {  	_ = 	snop  }
0x4: {  	_ = 	snop  }
0x5: {  	_ = 	snop  }
0x6: {  	_ = 	snop  }
0x7: {  	_ = 	snop  }
__scs_overlays_trampoline_lowered:
0x8: {  	[smem:$0x3FA9] =	sst s0  }
0x9: {  	[smem:$0x3FAA] =	sst s1  }
0xa: {  	[smem:$0x3FAB] =	sst s2  }
0xb: {  	[smem:$0x3FAC] =	sst s3  }
0xc: {  	[smem:$0x3FAD] =	sst s4  }
0xd: {  	[smem:$0x3FAE] =	sst s5  }
0xe: {  	[smem:$0x3FAF] =	sst s6  }
0xf: {  	[smem:$0x3FB0] =	sst s7  }
0x10: {  	[smem:$0x3FB1] =	sst s8  }
0x11: {  	[smem:$0x3FB2] =	sst s9;
	s0 =	simm.s32 @!p0 $0x0  }
0x12: {  	s1 =	sld [smem:$0x3F98];
	s0 =	simm.s32 @p0 $0x1  }
0x13: {  	[smem:$0x3FB3] =	sst s0;
	s0 =	simm.s32 @!p1 $0x0  }
0x14: {  	s2 =	sld [smem:$0x3F97];
	s0 =	simm.s32 @p1 $0x1  }
0x15: {  	[smem:$0x3FB4] =	sst s0;
	s0 =	simm.s32 @!p2 $0x0  }
0x16: {  	s3 =	sld [smem:$0x3FDB];
	s0 =	simm.s32 @p2 $0x1  }
0x17: {  	s4 =	simm.s32 $0x1BF5;
	[smem:$0x3FB6] =	sst s0  }
0x18: {  	s0 =	sld [smem:$0x3F99];
	_ =	swait.ge [sflag:s4], $0x0  }
0x19: {  	s7 =	sld [smem:$0x3F9A]  }
0x1a: {  	s8 =	sadd.s32 $0xFFFFE003, lr  }
0x1b: {  	s9 =	sadd.s32 $0xFFFFFEF7, lr;
	s5 =	simm.s32 $0xFFFFFFFF;
	p2 =	slt.u32 s8, $0xFFFFF086  }
0x1c: {  	p1 =	slt.u32 s9, $0xF7A;
	s5 =	simm.s32 @!p2 $0x0  }
0x1d: {  	s5 =	simm.s32 @p1 $0x1;
	p0 =	seq.s32 s7, s2  }
0x1e: {  	s7 =	smul.u32 @!p0 $0xF7A, s2;
	p2 =	seq.s32 @!p0 s5, $0x0  }
0x1f: {  	s9 =	smul.u32 $0xF7A, s1;
	s8 =	simm.s32 @!p0 $0x1BF5;
	p2 =	por !p2, p0  }
0x20: {  	[sflag:s8] =	ssyncset.s32 @!p0 $0xFFFFF086;
	s6 =	sadd.s32 @!p0 s3, s7;
	s7 =	simm.s32 @!p0 $0x108  }
0x21: {  	s3 =	sadd.s32 s3, s9;
	s6 =	sadd.s32 @!p0 $0x88, s6;
	s7 =	simm.s32 @p2 $0x1082  }
0x22: {  	[simem:s7], [sflag:s8] =	dma.local @!p0 [hbm:s6], $0xF7A  }
0x23: {  	s9 =	sor.u32 $0xD0000000, s2;
	s6 =	simm.s32 $0x108;
	_ =	swait.ge @!p0 [sflag:s8], $0x0  }
0x24: {  	s3 =	sadd.s32 $0x88, s3;
	s6 =	simm.s32 @!p1 $0x1082;
	[sflag:s4] =	ssyncset.s32 $0xFFFFF086  }
0x25: {  	[simem:s6], [sflag:s4] =	dma.local [hbm:s3], $0xF7A  }
0x26: {  	[smem:$0x3F9A] =	sst s1;
	(tag) =	ssettag s2;
	_ =	strace s9  }
0x27: {  	s1 =	sld [smem:$0x3FAA]  }
0x28: {  	s2 =	sld [smem:$0x3FAB]  }
0x29: {  	s4 =	sld [smem:$0x3FAD]  }
0x2a: {  	p0 =	seq.s32 s5, $0x0;
	s5 =	sld [smem:$0x3FAE]  }
0x2b: {  	s6 =	sld [smem:$0x3FAF]  }
0x2c: {  	s7 =	sld [smem:$0x3FB0]  }
0x2d: {  	s3 =	simm.s32 $0x108;
	s8 =	sld [smem:$0x3FB1]  }
0x2e: {  	s3 =	simm.s32 @!p0 $0x1082;
	s9 =	sld [smem:$0x3FB2]  }
0x2f: {  	lr =	sadd.s32 s0, s3;
	s0 =	sld [smem:$0x3FA9]  }
0x30: {  	s3 =	sld [smem:$0x3FAC]  }
0x31: {  	[smem:$0x3FB5] =	sst s10  }
0x32: {  	s10 =	sld [smem:$0x3FB3];
	_ =	sdelay $0x3  }
0x33: {  	p0 =	seq.s32 s10, $0x1;
	s10 =	sld [smem:$0x3FB5];
	_ =	sdelay $0x3  }
0x34: {  	[smem:$0x3FB5] =	sst s10  }
0x35: {  	s10 =	sld [smem:$0x3FB4];
	_ =	sdelay $0x3  }
0x36: {  	p1 =	seq.s32 s10, $0x1;
	s10 =	sld [smem:$0x3FB5];
	_ =	sdelay $0x3  }
0x37: {  	[smem:$0x3FB5] =	sst s10  }
0x38: {  	s10 =	sld [smem:$0x3FB6]  }
0x39: {  	_ = 	snop;
	(pc) =	sbr.ind lr, $3  }
0x3a: {  	_ = 	snop  }
0x3b: {  	_ = 	snop  }
0x3c: {  	p2 =	seq.s32 s10, $0x1;
	s10 =	sld [smem:$0x3FB5]  }
0x3d: {  	_ =	shalt  }
0x3e: {  	_ =	shalt  }
0x3f: {  	_ =	shalt  }
0x40: {  	_ =	shalt  }
0x41: {  	_ =	shalt  }
0x42: {  	_ =	shalt  }
0x43: {  	_ =	shalt  }
0x44: {  	_ =	shalt  }
0x45: {  	_ =	shalt  }
0x46: {  	_ =	shalt  }
0x47: {  	_ =	shalt  }
0x48: {  	_ =	shalt  }
0x49: {  	_ =	shalt  }
0x4a: {  	_ =	shalt  }
0x4b: {  	_ =	shalt  }
0x4c: {  	_ =	shalt  }
0x4d: {  	_ =	shalt  }
0x4e: {  	_ =	shalt  }
0x4f: {  	_ =	shalt  }
0x50: {  	_ =	shalt  }
0x51: {  	_ =	shalt  }
0x52: {  	_ =	shalt  }
0x53: {  	_ =	shalt  }
0x54: {  	_ =	shalt  }
0x55: {  	_ =	shalt  }
0x56: {  	_ =	shalt  }
0x57: {  	_ =	shalt  }
0x58: {  	_ =	shalt  }
0x59: {  	_ =	shalt  }
0x5a: {  	_ =	shalt  }
0x5b: {  	_ =	shalt  }
0x5c: {  	_ =	shalt  }
0x5d: {  	_ =	shalt  }
0x5e: {  	_ =	shalt  }
0x5f: {  	_ =	shalt  }
0x60: {  	_ =	shalt  }
0x61: {  	_ =	shalt  }
0x62: {  	_ =	shalt  }
0x63: {  	_ =	shalt  }
0x64: {  	_ =	shalt  }
0x65: {  	_ =	shalt  }
0x66: {  	_ =	shalt  }
0x67: {  	_ =	shalt  }
0x68: {  	_ =	shalt  }
0x69: {  	_ =	shalt  }
0x6a: {  	_ =	shalt  }
0x6b: {  	_ =	shalt  }
0x6c: {  	_ =	shalt  }
0x6d: {  	_ =	shalt  }
0x6e: {  	_ =	shalt  }
0x6f: {  	_ =	shalt  }
0x70: {  	_ =	shalt  }
0x71: {  	_ =	shalt  }
0x72: {  	_ =	shalt  }
0x73: {  	_ =	shalt  }
0x74: {  	_ =	shalt  }
0x75: {  	_ =	shalt  }
0x76: {  	_ =	shalt  }
0x77: {  	_ =	shalt  }
0x78: {  	_ =	shalt  }
0x79: {  	_ =	shalt  }
0x7a: {  	_ =	shalt  }
0x7b: {  	_ =	shalt  }
0x7c: {  	_ =	shalt  }
0x7d: {  	_ =	shalt  }
0x7e: {  	_ =	shalt  }
0x7f: {  	_ =	shalt  }
0x80: {  	_ =	shalt  }
0x81: {  	_ =	shalt  }
0x82: {  	_ =	shalt  }
0x83: {  	_ =	shalt  }
0x84: {  	_ =	shalt  }
0x85: {  	_ =	shalt  }
0x86: {  	_ =	shalt  }
0x87: {  	_ =	shalt  }
.Lfunc_end0:
.L_simem_size_0:
called_computation.1_lowered:
.L_overlay_start_0:
0x88: {  	s2 =	sld [smem:$0x3FD9]  }
0x89: {  	s3 =	sld [smem:$0x3FFE];
	_ =	sdelay $0x1  }
0x8a: {  	s1 =	srdreg.scid  }
0x8b: {  	s0 =	sand.u32 $0x1, s1  }
0x8c: {  	s17 =	sshll.u32 s0, $0xA;
	s2 =	sadd.s32 s3, s2  }
0x8d: {  	s2 =	sadd.s32 s2, s17  }
0x8e: {  	[smem:$0x3FC1] =	sst s2  }
0x8f: {  	_ = 	snop  }
0x90: {  	s18 =	sld [smem:$0x3FC9];
	(tm) =	ssettm $0x1  }
0x91: {  	s19 =	sld [smem:$0x3FFB];
	_ =	sdelay $0x3  }
0x92: {  	_ =	strace s19  }
0x93: {  	s2 =	sld [smem:$0x3FFC];
	_ =	sdelay $0x3  }
0x94: {  	_ =	strace s2  }
0x95: {  	s2 =	sld [smem:$0x3FFD];
	_ =	sdelay $0x3  }
0x96: {  	_ =	strace s2  }
0x97: {  	_ =	strace $0x8FFFFFFF  }
0x98: {  	s20 =	sld [smem:$0x3FDB];
	_ =	sdelay $0x1  }
0x99: {  	s4 =	simm.s32 $_scs_section_size  }
0x9a: {  	s5 =	simm.s32 $_size__tile_overlayer_lowered;
	s6 =	simm.s32 $_tile_overlayer_lowered  }
0x9b: {  	s7 =	simm.s32 $0x1BFF;
	s21 =	sshll.u32 s6, $0x1;
	s4 =	sadd.s32 s4, s20  }
0x9c: {  	s22 =	simm.s32 $0x0;
	s5 =	sshll.u32 s5, $0x1;
	s6 =	sadd.s32 s21, s4  }
0x9d: {  	[timem:s22], [sflag:s7] =	dma.local [hbm:s6], s5  }
0x9e: {  	_ =	swait.ge [sflag:s7], s5  }
0x9f: {  	s5 =	ssub.s32 $0x0, s5;
	[sflag:s7] =	ssyncset.done $0x0  }
0xa0: {  	[sflag:s7] =	ssyncadd.s32 s5;
	_ =	sdelay $0x1  }
0xa1: {  	s23 =	simm.s32 $0x1B8B  }
0xa2: {  	_ =	swait.ge [sflag:s23], $0x1  }
0xa3: {  	[sflag:s23] =	ssyncset.done $0x0  }
0xa4: {  	[sflag:s23] =	ssyncadd.s32 $0xFFFFFFFF  }
0xa5: {  	s5 =	sld [smem:$0x0]  }
0xa6: {  	s6 =	sand.u32 $0xFFFFFFFE, s1  }
0xa7: {  	p0 =	sne.s32 s1, s6  }
0xa8: {  	s6 =	sshll.u32 @p0 s6, $0xE  }
0xa9: {  	s6 =	sadd.s32 @p0 $0x11B8D, s6;
	s7 =	sshll.u32 @p0 s5, $0x11  }
0xaa: {  	s6 =	sor.u32 @p0 s7, s6  }
0xab: {  	[sflag:s6] =	ssyncadd.remote.s32 @p0 $0x1;
	_ =	sdelay $0x1  }
0xac: {  	s6 =	simm.s32 @p0 $0x1B8D  }
0xad: {  	_ =	swait.eq @p0 [sflag:s6], $0x1  }
0xae: {  	[sflag:s6] =	ssyncadd.s32 @p0 $0xFFFFFFFF  }
0xaf: {  	s7 =	sshll.u32 @!p0 s1, $0xE  }
0xb0: {  	s7 =	sor.u32 @!p0 $0x4000, s7;
	s6 =	simm.s32 @!p0 $0x1B8D  }
0xb1: {  	s5 =	sshll.u32 @!p0 s5, $0x11;
	s7 =	sadd.s32 @!p0 $0x11B8D, s7;
	_ =	swait.eq @!p0 [sflag:s6], $0x1  }
0xb2: {  	s5 =	sor.u32 @!p0 s5, s7;
	[sflag:s6] =	ssyncadd.s32 @!p0 $0xFFFFFFFF  }
0xb3: {  	s25 =	simm.s32 $0x1B8E;
	s24 =	sld [smem:$0x3FFE];
	[sflag:s5] =	ssyncadd.remote.s32 @!p0 $0x1  }
0xb4: {  	s26 =	simm.s32 $execute0_lowered;
	[smem:$0x3FD2] =	sst s25  }
0xb5: {  	s6 =	sshll.u32 s26, $0x1;
	_ =	strace $0x80000049;
	[dreg:$0x1] =	wrdreg $0xFFFFFFFF  }
0xb6: {  	s28 =	simm.s32 $_size_execute0_lowered;
	s4 =	sadd.s32 s4, s6;
	[dreg:$0x0] =	wrdreg $0x0  }
0xb7: {  	s6 =	sshll.u32 s28, $0x1;
	[dreg:$0x2] =	wrdreg s4  }
0xb8: {  	[dreg:$0x3] =	wrdreg s6  }
0xb9: {  	[dreg:$0x4] =	wrdreg $0xC0  }
0xba: {  	_ =	task [dreg:s22], $0x5FFFF  }
0xbb: {  	[dreg:$0x1] =	wrdreg $0xFFFFFFFF  }
0xbc: {  	[dreg:$0x0] =	wrdreg $0x60  }
0xbd: {  	[dreg:$0x2] =	wrdreg s18  }
0xbe: {  	[dreg:$0x3] =	wrdreg s24  }
0xbf: {  	[dreg:$0x4] =	wrdreg $0x8B000  }
0xc0: {  	[dreg:$0x5] =	wrdreg $0xA  }
0xc1: {  	_ =	task.clear_ibuf [dreg:s22], $0x6FFFF;
	_ =	strace $0x90000049  }
0xc2: {  	s29 =	simm.s32 $0xA;
	_ =	strace $0x8000004B  }
0xc3: {  	_ =	swait.ge [sflag:s29], $0x1  }
0xc4: {  	[sflag:s29] =	ssyncadd.s32 $0xFFFFFFFF  }
0xc5: {  	_ =	strace $0x9000004B  }
0xc6: {  	_ =	sfence  }
0xc7: {  	s30 =	sld [smem:$0x0];
	_ =	sdelay $0x2  }
0xc8: {  	s31 =	sshll.u32 s1, $0xD;
	s1 =	sshrl.u32 s1, $0x2  }
0xc9: {  	s4 =	sand.u32 $0x4000, s31;
	s1 =	sadd.s32 s1, s30  }
0xca: {  	s0 =	sor.u32 s4, s0;
	s1 =	sshll.u32 s1, $0x11  }
0xcb: {  	s0 =	sor.u32 s1, s0  }
0xcc: {  	s0 =	sadd.s32 $0x8F2B, s0  }
0xcd: {  	[sflag:s0] =	ssyncadd.remote.s32 $0x1  }
0xce: {  	_ =	sfence.sel $0xFFFF  }
0xcf: {  	[dreg:$0x0] =	wrdreg $0xFFFFFFFF;
	(pc) =	sbr.abs _section_cstart, $3  }
0xd0: {  	[dreg:$0x1] =	wrdreg $0xFFFFFFFF  }
0xd1: {  	_ =	task.clear_ibuf [dreg:s22], $0x2FFFF;
	_ =	strace $0x9FFFFFFF  }
0xd2: {  	(tm) =	ssettm $0x7FFFFFFF  }
0xd3: {  	_ =	shalt  }
tec
execute0_lowered:
.L_overlay_start_1:
0x0: {  	(tag) =	ssettag $0x1  }
0x1: {  	s5 =	rddreg [dreg:$0x0]  }
0x2: {  	s0 =	srdreg.scid;
	s6 =	rddreg [dreg:$0x1]  }
0x3: {  	s9 =	stileid.u32;
	s1 =	rddreg [dreg:$0x2];
	s2 =	simm.s32 $0x0  }
0x4: {  	s13 =	simm.s32 $0x80;
	s14 =	simm.s32 $0x1;
	s15 =	simm.s32 $0x2  }
0x5: {  	s3 =	sand.u32 $0x1, s0;
	s4 =	smul.u32 $0xB0000, s9;
	s0 =	rddreg [dreg:$0x3]  }
0x6: {  	s16 =	simm.s32 $0x0;
	[smem:$0x7FF] =	sst s2;
	s26 =	smul.u32 $0x4E000, s9  }
0x7: {  	s25 =	sshll.u32 s9, $0x1;
	s28 =	smul.u32 $0x2700, s9;
	s30 =	sshll.u32 s9, $0x6  }
0x8: {  	p0 =	sne.s32 s9, $0x0;
	s7 =	smul.u32 $0x58000, s3;
	s10 =	ssub.s32 $0x2, s3  }
0x9: {  	_ =	strace $0x8000004A;
	s3 =	sor.u32 s3, s25;
	s11 =	sshrl.u32 s10, $0x1  }
0xa: {  	s12 =	smul.u32 $0x2710, s3;
	s3 =	sadd.s32 s5, s28;
	s5 =	sadd.s32 $0x27000, s5  }
0xb: {  	s4 =	sadd.s32 s7, s4;
	s7 =	sshrl.u32 s26, $0x2;
	s10 =	ssub.s32 s10, s11  }
.Ltmp0:
0xc: {  	s4 =	sshrl.u32 s4, $0x3;
	s29 =	sadd.s32 s7, s1;
	(pc) =	sbr.rel .LBB2_1-.Ltmp0, $4  }
0xd: {  	s31 =	sshrl.u32 s12, $0x3;
	s12 =	sadd.s32 $0x138000, s1;
	s7 =	smax.u32 s10, $0x1  }
0xe: {  	s10 =	simm.s32 $0x3;
	s8 =	sadd.s32 s4, s6;
	s4 =	sor.u32 $0x1C03, s30  }
0xf: {  	s6 =	sadd.s32 s6, s31;
	s9 =	sshrl.u32 s29, $0x3;
	s11 =	sshrl.u32 @!p0 s12, $0x3  }
0x10: {  	s12 =	simm.s32 $0xB00;
	s6 =	sadd.s32 $0x1B60, s6;
	s8 =	sadd.s32 $0x16B800, s8  }
.LBB2_7:
0x11: {  	s16 =	sadd.s32 $0x1, s16  }
0x12: {  	_ =	swait.ge [sflag:s15], $0x4000;
	p1 =	sne.s32 s16, s7  }
.Ltmp1:
0x13: {  	[sflag:s15] =	ssyncset.done $0x0;
	(pc) =	sbr.rel @!p1 .LBB2_8-.Ltmp1, $4  }
0x14: {  	[sflag:s15] =	ssyncadd.s32 $0xFFFFC000  }
0x15: {  	_ =	swait.ge [sflag:s15], $0x4000  }
0x16: {  	[sflag:s15] =	ssyncset.done $0x0  }
0x17: {  	[sflag:s15] =	ssyncadd.s32 $0xFFFFC000  }
.LBB2_1:
0x18: {  	[spmem:s9], [sflag:s4] =	dma.local [hbm:s3], $0x2700  }
0x19: {  	_ =	swait.ge [sflag:s10], $0x2700  }
0x1a: {  	[sflag:s10] =	ssyncset.done $0x0  }
0x1b: {  	s17 =	simm.s32 @!p0 $0x3;
	[sflag:s10] =	ssyncadd.s32 $0xFFFFD900  }
0x1c: {  	[spmem:s11], [sflag:s4] =	dma.local @!p0 [hbm:s5], $0x100  }
0x1d: {  	_ =	swait.ge @!p0 [sflag:s17], $0x100  }
0x1e: {  	[sflag:s17] =	ssyncset.done @!p0 $0x0  }
0x1f: {  	[sflag:s17] =	ssyncadd.s32 @!p0 $0xFFFFFF00  }
0x20: {  	[tilespmem:s2], [sflag:$0x3] =	stream.linear.gather [hbm4b:s6+s2], $0xB00, $0x38;
	[tilespmem:$0x1C380] =	vst v63  }
.Ltmp2:
0x21: {  	_ =	swait.ge [sflag:s10], $0xB00;
	(pc) =	sbr.rel .LBB2_2-.Ltmp2, $4  }
0x22: {  	[sflag:s10] =	ssyncset.done $0x0  }
0x23: {  	s18 =	simm.s32 $0x80;
	s19 =	smov.u32 s8;
	[sflag:s10] =	ssyncadd.s32 $0xFFFFF500  }
0x24: {  	s20 =	simm.s32 $0x0;
	s17 =	simm.s32 $0x10000;
	[bflag:$0x0] =	sbarrier.arrive $0xFFFF  }
0x25: {  	[tilespmem:s12], [sflag:$0x1] =	stream.indirect.gather [spmem:s1], $0x80, s2, s13, $0xb8;
	[tilespmem:$0x1C380] =	vst v63  }
.LBB2_5:
0x26: {  	s21 =	sand.u32 $0x10000, s17  }
0x27: {  	s21 =	sshrl.u32 s21, $0x2  }
0x28: {  	s21 =	sor.u32 $0xB00, s21  }
0x29: {  	[tilespmem:s21], [sflag:$0x1] =	stream.indirect.gather [spmem:s1], $0x80, s18, s13, $0xb8;
	[tilespmem:$0x1C380] =	vst v63  }
.LBB2_6:
0x2a: {  	s20 =	sadd.s32 $0x1, s20  }
0x2b: {  	s21 =	sadd.s32 $0xFFFF0000, s17;
	p1 =	sne.s32 s20, $0x16  }
.Ltmp3:
0x2c: {  	_ =	swait.ge [sflag:s14], $0x4000;
	s21 =	sand.u32 $0x10000, s21;
	(pc) =	sbr.rel @!p1 .LBB2_7-.Ltmp3, $4  }
0x2d: {  	[sflag:s14] =	ssyncset.done $0x0;
	s21 =	sshrl.u32 s21, $0x2  }
0x2e: {  	[sflag:s14] =	ssyncadd.s32 $0xFFFFC000;
	s21 =	sor.u32 $0xB00, s21  }
0x2f: {  	[hbm4b:s19+s2] =	stream.linear.scatter [tilespmem:s21], [sflag:$0x2], $0x4000, $0x38;
	[tilespmem:$0x1C380] =	vst v63  }
0x30: {  	s17 =	sadd.s32 $0x10000, s17;
	s18 =	sadd.s32 $0x80, s18;
	s19 =	sadd.s32 $0x800, s19  }
.LBB2_2:
0x31: {  	p1 =	seq.s32 s20, $0x0  }
.Ltmp4:
0x32: {  	_ = 	snop;
	(pc) =	sbr.rel @p1 .LBB2_5-.Ltmp4, $1  }
0x33: {  	_ =	sdelay $0x3  }
0x34: {  	p1 =	seq.s32 s20, $0x15  }
.Ltmp5:
0x35: {  	_ = 	snop;
	(pc) =	sbr.rel @p1 .LBB2_6-.Ltmp5, $1  }
0x36: {  	_ =	sdelay $0x3  }
.Ltmp6:
0x37: {  	(pc) =	sbr.rel .LBB2_5-.Ltmp6, $4  }
0x38: {  	_ = 	snop  }
0x39: {  	_ =	swait.ge [sflag:s15], $0x4000  }
0x3a: {  	[sflag:s15] =	ssyncset.done $0x0  }
0x3b: {  	[sflag:s15] =	ssyncadd.s32 $0xFFFFC000  }
.LBB2_8:
0x3c: {  	_ =	sfence.sel $0x180000  }
0x3d: {  	[bflag:$0x0] =	sbarrier.arrive $0xFFFF  }
0x3e: {  	_ =	strace $0x9000004A  }
0x3f: {  	s0 =	sadd.s32 @!p0 $0x100000, s0;
	[bflag:$0x2] =	sbarrier.arrive $0xFFFF  }
0x40: {  	[sflag:s0] =	ssyncadd.tile.s32 @!p0 $0x1;
	_ =	shalt  }
.Lfunc_end2:
_tile_overlayer_lowered:
.L_overlay_start_2:
0x41: {  	(tag) =	ssettag $0x2  }
0x42: {  	s0 =	rddreg [dreg:$0x0];
	s2 =	stileid.u32  }
0x43: {  	s1 =	rddreg [dreg:$0x1];
	p0 =	sne.s32 s2, $0x0  }
0x44: {  	s3 =	rddreg [dreg:$0x2];
	[bflag:$0x3] =	sbarrier.arrive $0xFFFF;
	s2 =	simm.s32 @!p0 $0x1C03  }
0x45: {  	[timem:s3], [sflag:s2] =	dma.local @!p0 [hbm:s0], s1  }
0x46: {  	s0 =	simm.s32 @!p0 $0x3  }
0x47: {  	_ =	swait.ge @!p0 [sflag:s0], s1  }
0x48: {  	s1 =	ssub.s32 @!p0 $0x0, s1;
	[sflag:s0] =	ssyncset.done @!p0 $0x0  }
0x49: {  	[sflag:s0] =	ssyncadd.s32 @!p0 s1  }
0x4a: {  	[bflag:$0x3] =	sbarrier.arrive $0xFFFF  }
0x4b: {  	_ =	shalt  }

// kernel: kernel.16.cloned.1.call-start
scs
__scs_entry_jumppad:
0x0: {  	(pc) =	sbr.rel $0x88, $3  }
0x1: {  	(tag) =	ssettag $0x0;
	lr =	simm.s32 $0x1  }
0x2: {  	[smem:$0x3F9A] =	sst lr;
	_ =	strace $0xD0000000  }
0x3: {  	_ = 	snop  }
0x4: {  	_ = 	snop  }
0x5: {  	_ = 	snop  }
0x6: {  	_ = 	snop  }
0x7: {  	_ = 	snop  }
__scs_overlays_trampoline_lowered:
0x8: {  	[smem:$0x3FA9] =	sst s0  }
0x9: {  	[smem:$0x3FAA] =	sst s1  }
0xa: {  	[smem:$0x3FAB] =	sst s2  }
0xb: {  	[smem:$0x3FAC] =	sst s3  }
0xc: {  	[smem:$0x3FAD] =	sst s4  }
0xd: {  	[smem:$0x3FAE] =	sst s5  }
0xe: {  	[smem:$0x3FAF] =	sst s6  }
0xf: {  	[smem:$0x3FB0] =	sst s7  }
0x10: {  	[smem:$0x3FB1] =	sst s8  }
0x11: {  	[smem:$0x3FB2] =	sst s9;
	s0 =	simm.s32 @!p0 $0x0  }
0x12: {  	s1 =	sld [smem:$0x3F98];
	s0 =	simm.s32 @p0 $0x1  }
0x13: {  	[smem:$0x3FB3] =	sst s0;
	s0 =	simm.s32 @!p1 $0x0  }
0x14: {  	s2 =	sld [smem:$0x3F97];
	s0 =	simm.s32 @p1 $0x1  }
0x15: {  	[smem:$0x3FB4] =	sst s0;
	s0 =	simm.s32 @!p2 $0x0  }
0x16: {  	s3 =	sld [smem:$0x3FDB];
	s0 =	simm.s32 @p2 $0x1  }
0x17: {  	s4 =	simm.s32 $0x1BF5;
	[smem:$0x3FB6] =	sst s0  }
0x18: {  	s0 =	sld [smem:$0x3F99];
	_ =	swait.ge [sflag:s4], $0x0  }
0x19: {  	s7 =	sld [smem:$0x3F9A]  }
0x1a: {  	s8 =	sadd.s32 $0xFFFFE003, lr  }
0x1b: {  	s9 =	sadd.s32 $0xFFFFFEF7, lr;
	s5 =	simm.s32 $0xFFFFFFFF;
	p2 =	slt.u32 s8, $0xFFFFF086  }
0x1c: {  	p1 =	slt.u32 s9, $0xF7A;
	s5 =	simm.s32 @!p2 $0x0  }
0x1d: {  	s5 =	simm.s32 @p1 $0x1;
	p0 =	seq.s32 s7, s2  }
0x1e: {  	s7 =	smul.u32 @!p0 $0xF7A, s2;
	p2 =	seq.s32 @!p0 s5, $0x0  }
0x1f: {  	s9 =	smul.u32 $0xF7A, s1;
	s8 =	simm.s32 @!p0 $0x1BF5;
	p2 =	por !p2, p0  }
0x20: {  	[sflag:s8] =	ssyncset.s32 @!p0 $0xFFFFF086;
	s6 =	sadd.s32 @!p0 s3, s7;
	s7 =	simm.s32 @!p0 $0x108  }
0x21: {  	s3 =	sadd.s32 s3, s9;
	s6 =	sadd.s32 @!p0 $0x88, s6;
	s7 =	simm.s32 @p2 $0x1082  }
0x22: {  	[simem:s7], [sflag:s8] =	dma.local @!p0 [hbm:s6], $0xF7A  }
0x23: {  	s9 =	sor.u32 $0xD0000000, s2;
	s6 =	simm.s32 $0x108;
	_ =	swait.ge @!p0 [sflag:s8], $0x0  }
0x24: {  	s3 =	sadd.s32 $0x88, s3;
	s6 =	simm.s32 @!p1 $0x1082;
	[sflag:s4] =	ssyncset.s32 $0xFFFFF086  }
0x25: {  	[simem:s6], [sflag:s4] =	dma.local [hbm:s3], $0xF7A  }
0x26: {  	[smem:$0x3F9A] =	sst s1;
	(tag) =	ssettag s2;
	_ =	strace s9  }
0x27: {  	s1 =	sld [smem:$0x3FAA]  }
0x28: {  	s2 =	sld [smem:$0x3FAB]  }
0x29: {  	s4 =	sld [smem:$0x3FAD]  }
0x2a: {  	p0 =	seq.s32 s5, $0x0;
	s5 =	sld [smem:$0x3FAE]  }
0x2b: {  	s6 =	sld [smem:$0x3FAF]  }
0x2c: {  	s7 =	sld [smem:$0x3FB0]  }
0x2d: {  	s3 =	simm.s32 $0x108;
	s8 =	sld [smem:$0x3FB1]  }
0x2e: {  	s3 =	simm.s32 @!p0 $0x1082;
	s9 =	sld [smem:$0x3FB2]  }
0x2f: {  	lr =	sadd.s32 s0, s3;
	s0 =	sld [smem:$0x3FA9]  }
0x30: {  	s3 =	sld [smem:$0x3FAC]  }
0x31: {  	[smem:$0x3FB5] =	sst s10  }
0x32: {  	s10 =	sld [smem:$0x3FB3];
	_ =	sdelay $0x3  }
0x33: {  	p0 =	seq.s32 s10, $0x1;
	s10 =	sld [smem:$0x3FB5];
	_ =	sdelay $0x3  }
0x34: {  	[smem:$0x3FB5] =	sst s10  }
0x35: {  	s10 =	sld [smem:$0x3FB4];
	_ =	sdelay $0x3  }
0x36: {  	p1 =	seq.s32 s10, $0x1;
	s10 =	sld [smem:$0x3FB5];
	_ =	sdelay $0x3  }
0x37: {  	[smem:$0x3FB5] =	sst s10  }
0x38: {  	s10 =	sld [smem:$0x3FB6]  }
0x39: {  	_ = 	snop;
	(pc) =	sbr.ind lr, $3  }
0x3a: {  	_ = 	snop  }
0x3b: {  	_ = 	snop  }
0x3c: {  	p2 =	seq.s32 s10, $0x1;
	s10 =	sld [smem:$0x3FB5]  }
0x3d: {  	_ =	shalt  }
0x3e: {  	_ =	shalt  }
0x3f: {  	_ =	shalt  }
0x40: {  	_ =	shalt  }
0x41: {  	_ =	shalt  }
0x42: {  	_ =	shalt  }
0x43: {  	_ =	shalt  }
0x44: {  	_ =	shalt  }
0x45: {  	_ =	shalt  }
0x46: {  	_ =	shalt  }
0x47: {  	_ =	shalt  }
0x48: {  	_ =	shalt  }
0x49: {  	_ =	shalt  }
0x4a: {  	_ =	shalt  }
0x4b: {  	_ =	shalt  }
0x4c: {  	_ =	shalt  }
0x4d: {  	_ =	shalt  }
0x4e: {  	_ =	shalt  }
0x4f: {  	_ =	shalt  }
0x50: {  	_ =	shalt  }
0x51: {  	_ =	shalt  }
0x52: {  	_ =	shalt  }
0x53: {  	_ =	shalt  }
0x54: {  	_ =	shalt  }
0x55: {  	_ =	shalt  }
0x56: {  	_ =	shalt  }
0x57: {  	_ =	shalt  }
0x58: {  	_ =	shalt  }
0x59: {  	_ =	shalt  }
0x5a: {  	_ =	shalt  }
0x5b: {  	_ =	shalt  }
0x5c: {  	_ =	shalt  }
0x5d: {  	_ =	shalt  }
0x5e: {  	_ =	shalt  }
0x5f: {  	_ =	shalt  }
0x60: {  	_ =	shalt  }
0x61: {  	_ =	shalt  }
0x62: {  	_ =	shalt  }
0x63: {  	_ =	shalt  }
0x64: {  	_ =	shalt  }
0x65: {  	_ =	shalt  }
0x66: {  	_ =	shalt  }
0x67: {  	_ =	shalt  }
0x68: {  	_ =	shalt  }
0x69: {  	_ =	shalt  }
0x6a: {  	_ =	shalt  }
0x6b: {  	_ =	shalt  }
0x6c: {  	_ =	shalt  }
0x6d: {  	_ =	shalt  }
0x6e: {  	_ =	shalt  }
0x6f: {  	_ =	shalt  }
0x70: {  	_ =	shalt  }
0x71: {  	_ =	shalt  }
0x72: {  	_ =	shalt  }
0x73: {  	_ =	shalt  }
0x74: {  	_ =	shalt  }
0x75: {  	_ =	shalt  }
0x76: {  	_ =	shalt  }
0x77: {  	_ =	shalt  }
0x78: {  	_ =	shalt  }
0x79: {  	_ =	shalt  }
0x7a: {  	_ =	shalt  }
0x7b: {  	_ =	shalt  }
0x7c: {  	_ =	shalt  }
0x7d: {  	_ =	shalt  }
0x7e: {  	_ =	shalt  }
0x7f: {  	_ =	shalt  }
0x80: {  	_ =	shalt  }
0x81: {  	_ =	shalt  }
0x82: {  	_ =	shalt  }
0x83: {  	_ =	shalt  }
0x84: {  	_ =	shalt  }
0x85: {  	_ =	shalt  }
0x86: {  	_ =	shalt  }
0x87: {  	_ =	shalt  }
.Lfunc_end0:
.L_simem_size_0:
called_computation.2_lowered:
.L_overlay_start_0:
0x88: {  	s2 =	sld [smem:$0x3FD9]  }
0x89: {  	s3 =	sld [smem:$0x3FFE];
	_ =	sdelay $0x1  }
0x8a: {  	s1 =	srdreg.scid  }
0x8b: {  	s0 =	sand.u32 $0x1, s1  }
0x8c: {  	s17 =	sshll.u32 s0, $0xA;
	s2 =	sadd.s32 s3, s2  }
0x8d: {  	s2 =	sadd.s32 s2, s17  }
0x8e: {  	[smem:$0x3FC1] =	sst s2  }
0x8f: {  	_ = 	snop  }
0x90: {  	s18 =	sld [smem:$0x3FC9];
	(tm) =	ssettm $0x1  }
0x91: {  	s19 =	sld [smem:$0x3FFB];
	_ =	sdelay $0x3  }
0x92: {  	_ =	strace s19  }
0x93: {  	s2 =	sld [smem:$0x3FFC];
	_ =	sdelay $0x3  }
0x94: {  	_ =	strace s2  }
0x95: {  	s2 =	sld [smem:$0x3FFD];
	_ =	sdelay $0x3  }
0x96: {  	_ =	strace s2  }
0x97: {  	_ =	strace $0x8FFFFFFF  }
0x98: {  	s20 =	sld [smem:$0x3FDB];
	_ =	sdelay $0x1  }
0x99: {  	s4 =	simm.s32 $_scs_section_size  }
0x9a: {  	s5 =	simm.s32 $_size__tile_overlayer_lowered;
	s6 =	simm.s32 $_tile_overlayer_lowered  }
0x9b: {  	s7 =	simm.s32 $0x1BFF;
	s21 =	sshll.u32 s6, $0x1;
	s4 =	sadd.s32 s4, s20  }
0x9c: {  	s22 =	simm.s32 $0x0;
	s5 =	sshll.u32 s5, $0x1;
	s6 =	sadd.s32 s21, s4  }
0x9d: {  	[timem:s22], [sflag:s7] =	dma.local [hbm:s6], s5  }
0x9e: {  	_ =	swait.ge [sflag:s7], s5  }
0x9f: {  	s5 =	ssub.s32 $0x0, s5;
	[sflag:s7] =	ssyncset.done $0x0  }
0xa0: {  	[sflag:s7] =	ssyncadd.s32 s5;
	_ =	sdelay $0x1  }
0xa1: {  	s23 =	simm.s32 $0x1B8B  }
0xa2: {  	_ =	swait.ge [sflag:s23], $0x1  }
0xa3: {  	[sflag:s23] =	ssyncset.done $0x0  }
0xa4: {  	[sflag:s23] =	ssyncadd.s32 $0xFFFFFFFF  }
0xa5: {  	s5 =	sld [smem:$0x0]  }
0xa6: {  	s6 =	sand.u32 $0xFFFFFFFE, s1  }
0xa7: {  	p0 =	sne.s32 s1, s6  }
0xa8: {  	s6 =	sshll.u32 @p0 s6, $0xE  }
0xa9: {  	s6 =	sadd.s32 @p0 $0x11B8D, s6;
	s7 =	sshll.u32 @p0 s5, $0x11  }
0xaa: {  	s6 =	sor.u32 @p0 s7, s6  }
0xab: {  	[sflag:s6] =	ssyncadd.remote.s32 @p0 $0x1;
	_ =	sdelay $0x1  }
0xac: {  	s6 =	simm.s32 @p0 $0x1B8D  }
0xad: {  	_ =	swait.eq @p0 [sflag:s6], $0x1  }
0xae: {  	[sflag:s6] =	ssyncadd.s32 @p0 $0xFFFFFFFF  }
0xaf: {  	s7 =	sshll.u32 @!p0 s1, $0xE  }
0xb0: {  	s7 =	sor.u32 @!p0 $0x4000, s7;
	s6 =	simm.s32 @!p0 $0x1B8D  }
0xb1: {  	s5 =	sshll.u32 @!p0 s5, $0x11;
	s7 =	sadd.s32 @!p0 $0x11B8D, s7;
	_ =	swait.eq @!p0 [sflag:s6], $0x1  }
0xb2: {  	s5 =	sor.u32 @!p0 s5, s7;
	[sflag:s6] =	ssyncadd.s32 @!p0 $0xFFFFFFFF  }
0xb3: {  	s25 =	simm.s32 $0x1B8E;
	s24 =	sld [smem:$0x3FFE];
	[sflag:s5] =	ssyncadd.remote.s32 @!p0 $0x1  }
0xb4: {  	s26 =	simm.s32 $execute0_lowered;
	[smem:$0x3FD2] =	sst s25  }
0xb5: {  	s6 =	sshll.u32 s26, $0x1;
	_ =	strace $0x8000004C;
	[dreg:$0x1] =	wrdreg $0xFFFFFFFF  }
0xb6: {  	s28 =	simm.s32 $_size_execute0_lowered;
	s4 =	sadd.s32 s4, s6;
	[dreg:$0x0] =	wrdreg $0x0  }
0xb7: {  	s6 =	sshll.u32 s28, $0x1;
	[dreg:$0x2] =	wrdreg s4  }
0xb8: {  	[dreg:$0x3] =	wrdreg s6  }
0xb9: {  	[dreg:$0x4] =	wrdreg $0xC0  }
0xba: {  	_ =	task [dreg:s22], $0x5FFFF  }
0xbb: {  	[dreg:$0x1] =	wrdreg $0xFFFFFFFF  }
0xbc: {  	[dreg:$0x0] =	wrdreg $0x60  }
0xbd: {  	[dreg:$0x2] =	wrdreg s18  }
0xbe: {  	[dreg:$0x3] =	wrdreg s24  }
0xbf: {  	[dreg:$0x4] =	wrdreg $0x8C000  }
0xc0: {  	[dreg:$0x5] =	wrdreg $0xB  }
0xc1: {  	_ =	task.clear_ibuf [dreg:s22], $0x6FFFF;
	_ =	strace $0x9000004C  }
0xc2: {  	s29 =	simm.s32 $0xB;
	_ =	strace $0x8000004E  }
0xc3: {  	_ =	swait.ge [sflag:s29], $0x1  }
0xc4: {  	[sflag:s29] =	ssyncadd.s32 $0xFFFFFFFF  }
0xc5: {  	_ =	strace $0x9000004E  }
0xc6: {  	_ =	sfence  }
0xc7: {  	s30 =	sld [smem:$0x0];
	_ =	sdelay $0x2  }
0xc8: {  	s31 =	sshll.u32 s1, $0xD;
	s1 =	sshrl.u32 s1, $0x2  }
0xc9: {  	s4 =	sand.u32 $0x4000, s31;
	s1 =	sadd.s32 s1, s30  }
0xca: {  	s0 =	sor.u32 s4, s0;
	s1 =	sshll.u32 s1, $0x11  }
0xcb: {  	s0 =	sor.u32 s1, s0  }
0xcc: {  	s0 =	sadd.s32 $0x8F2B, s0  }
0xcd: {  	[sflag:s0] =	ssyncadd.remote.s32 $0x1  }
0xce: {  	_ =	sfence.sel $0xFFFF  }
0xcf: {  	[dreg:$0x0] =	wrdreg $0xFFFFFFFF;
	(pc) =	sbr.abs _section_cstart, $3  }
0xd0: {  	[dreg:$0x1] =	wrdreg $0xFFFFFFFF  }
0xd1: {  	_ =	task.clear_ibuf [dreg:s22], $0x2FFFF;
	_ =	strace $0x9FFFFFFF  }
0xd2: {  	(tm) =	ssettm $0x7FFFFFFF  }
0xd3: {  	_ =	shalt  }
tec
execute0_lowered:
.L_overlay_start_1:
0x0: {  	(tag) =	ssettag $0x1  }
0x1: {  	s5 =	rddreg [dreg:$0x0]  }
0x2: {  	s0 =	srdreg.scid;
	s6 =	rddreg [dreg:$0x1]  }
0x3: {  	s9 =	stileid.u32;
	s1 =	rddreg [dreg:$0x2];
	s2 =	simm.s32 $0x0  }
0x4: {  	s13 =	simm.s32 $0x80;
	s14 =	simm.s32 $0x1;
	s15 =	simm.s32 $0x2  }
0x5: {  	s3 =	sand.u32 $0x1, s0;
	s4 =	smul.u32 $0xC0000, s9;
	s0 =	rddreg [dreg:$0x3]  }
0x6: {  	s16 =	simm.s32 $0x0;
	[smem:$0x7FF] =	sst s2;
	s26 =	smul.u32 $0x4E000, s9  }
0x7: {  	s25 =	sshll.u32 s9, $0x1;
	s28 =	smul.u32 $0x2700, s9;
	s30 =	sshll.u32 s9, $0x6  }
0x8: {  	p0 =	sne.s32 s9, $0x0;
	s7 =	smul.u32 $0x60000, s3;
	s10 =	ssub.s32 $0x2, s3  }
0x9: {  	_ =	strace $0x8000004D;
	s3 =	sor.u32 s3, s25;
	s11 =	sshrl.u32 s10, $0x1  }
0xa: {  	s12 =	smul.u32 $0x2710, s3;
	s3 =	sadd.s32 s5, s28;
	s5 =	sadd.s32 $0x27000, s5  }
0xb: {  	s4 =	sadd.s32 s7, s4;
	s7 =	sshrl.u32 s26, $0x2;
	s10 =	ssub.s32 s10, s11  }
.Ltmp0:
0xc: {  	s4 =	sshrl.u32 s4, $0x3;
	s29 =	sadd.s32 s7, s1;
	(pc) =	sbr.rel .LBB2_1-.Ltmp0, $4  }
0xd: {  	s31 =	sshrl.u32 s12, $0x3;
	s12 =	sadd.s32 $0x138000, s1;
	s7 =	smax.u32 s10, $0x1  }
0xe: {  	s10 =	simm.s32 $0x3;
	s8 =	sadd.s32 s4, s6;
	s4 =	sor.u32 $0x1C03, s30  }
0xf: {  	s6 =	sadd.s32 s6, s31;
	s9 =	sshrl.u32 s29, $0x3;
	s11 =	sshrl.u32 @!p0 s12, $0x3  }
0x10: {  	s12 =	simm.s32 $0xC00;
	s6 =	sadd.s32 $0x1CC0, s6;
	s8 =	sadd.s32 $0x2CB800, s8  }
.LBB2_7:
0x11: {  	s16 =	sadd.s32 $0x1, s16  }
0x12: {  	_ =	swait.ge [sflag:s15], $0x4000;
	p1 =	sne.s32 s16, s7  }
.Ltmp1:
0x13: {  	[sflag:s15] =	ssyncset.done $0x0;
	(pc) =	sbr.rel @!p1 .LBB2_8-.Ltmp1, $4  }
0x14: {  	[sflag:s15] =	ssyncadd.s32 $0xFFFFC000  }
0x15: {  	_ =	swait.ge [sflag:s15], $0x4000  }
0x16: {  	[sflag:s15] =	ssyncset.done $0x0  }
0x17: {  	[sflag:s15] =	ssyncadd.s32 $0xFFFFC000  }
.LBB2_1:
0x18: {  	[spmem:s9], [sflag:s4] =	dma.local [hbm:s3], $0x2700  }
0x19: {  	_ =	swait.ge [sflag:s10], $0x2700  }
0x1a: {  	[sflag:s10] =	ssyncset.done $0x0  }
0x1b: {  	s17 =	simm.s32 @!p0 $0x3;
	[sflag:s10] =	ssyncadd.s32 $0xFFFFD900  }
0x1c: {  	[spmem:s11], [sflag:s4] =	dma.local @!p0 [hbm:s5], $0x100  }
0x1d: {  	_ =	swait.ge @!p0 [sflag:s17], $0x100  }
0x1e: {  	[sflag:s17] =	ssyncset.done @!p0 $0x0  }
0x1f: {  	[sflag:s17] =	ssyncadd.s32 @!p0 $0xFFFFFF00  }
0x20: {  	[tilespmem:s2], [sflag:$0x3] =	stream.linear.gather [hbm4b:s6+s2], $0xC00, $0x38;
	[tilespmem:$0x1C480] =	vst v63  }
.Ltmp2:
0x21: {  	_ =	swait.ge [sflag:s10], $0xC00;
	(pc) =	sbr.rel .LBB2_2-.Ltmp2, $4  }
0x22: {  	[sflag:s10] =	ssyncset.done $0x0  }
0x23: {  	s18 =	simm.s32 $0x80;
	s19 =	smov.u32 s8;
	[sflag:s10] =	ssyncadd.s32 $0xFFFFF400  }
0x24: {  	s20 =	simm.s32 $0x0;
	s17 =	simm.s32 $0x10000;
	[bflag:$0x0] =	sbarrier.arrive $0xFFFF  }
0x25: {  	[tilespmem:s12], [sflag:$0x1] =	stream.indirect.gather [spmem:s1], $0x80, s2, s13, $0xb8;
	[tilespmem:$0x1C480] =	vst v63  }
.LBB2_5:
0x26: {  	s21 =	sand.u32 $0x10000, s17  }
0x27: {  	s21 =	sshrl.u32 s21, $0x2  }
0x28: {  	s21 =	sor.u32 $0xC00, s21  }
0x29: {  	[tilespmem:s21], [sflag:$0x1] =	stream.indirect.gather [spmem:s1], $0x80, s18, s13, $0xb8;
	[tilespmem:$0x1C480] =	vst v63  }
.LBB2_6:
0x2a: {  	s20 =	sadd.s32 $0x1, s20  }
0x2b: {  	s21 =	sadd.s32 $0xFFFF0000, s17;
	p1 =	sne.s32 s20, $0x18  }
.Ltmp3:
0x2c: {  	_ =	swait.ge [sflag:s14], $0x4000;
	s21 =	sand.u32 $0x10000, s21;
	(pc) =	sbr.rel @!p1 .LBB2_7-.Ltmp3, $4  }
0x2d: {  	[sflag:s14] =	ssyncset.done $0x0;
	s21 =	sshrl.u32 s21, $0x2  }
0x2e: {  	[sflag:s14] =	ssyncadd.s32 $0xFFFFC000;
	s21 =	sor.u32 $0xC00, s21  }
0x2f: {  	[hbm4b:s19+s2] =	stream.linear.scatter [tilespmem:s21], [sflag:$0x2], $0x4000, $0x38;
	[tilespmem:$0x1C480] =	vst v63  }
0x30: {  	s17 =	sadd.s32 $0x10000, s17;
	s18 =	sadd.s32 $0x80, s18;
	s19 =	sadd.s32 $0x800, s19  }
.LBB2_2:
0x31: {  	p1 =	seq.s32 s20, $0x0  }
.Ltmp4:
0x32: {  	_ = 	snop;
	(pc) =	sbr.rel @p1 .LBB2_5-.Ltmp4, $1  }
0x33: {  	_ =	sdelay $0x3  }
0x34: {  	p1 =	seq.s32 s20, $0x17  }
.Ltmp5:
0x35: {  	_ = 	snop;
	(pc) =	sbr.rel @p1 .LBB2_6-.Ltmp5, $1  }
0x36: {  	_ =	sdelay $0x3  }
.Ltmp6:
0x37: {  	(pc) =	sbr.rel .LBB2_5-.Ltmp6, $4  }
0x38: {  	_ = 	snop  }
0x39: {  	_ =	swait.ge [sflag:s15], $0x4000  }
0x3a: {  	[sflag:s15] =	ssyncset.done $0x0  }
0x3b: {  	[sflag:s15] =	ssyncadd.s32 $0xFFFFC000  }
.LBB2_8:
0x3c: {  	_ =	sfence.sel $0x180000  }
0x3d: {  	[bflag:$0x0] =	sbarrier.arrive $0xFFFF  }
0x3e: {  	_ =	strace $0x9000004D  }
0x3f: {  	s0 =	sadd.s32 @!p0 $0x100000, s0;
	[bflag:$0x2] =	sbarrier.arrive $0xFFFF  }
0x40: {  	[sflag:s0] =	ssyncadd.tile.s32 @!p0 $0x1;
	_ =	shalt  }
.Lfunc_end2:
_tile_overlayer_lowered:
.L_overlay_start_2:
0x41: {  	(tag) =	ssettag $0x2  }
0x42: {  	s0 =	rddreg [dreg:$0x0];
	s2 =	stileid.u32  }
0x43: {  	s1 =	rddreg [dreg:$0x1];
	p0 =	sne.s32 s2, $0x0  }
0x44: {  	s3 =	rddreg [dreg:$0x2];
	[bflag:$0x3] =	sbarrier.arrive $0xFFFF;
	s2 =	simm.s32 @!p0 $0x1C03  }
0x45: {  	[timem:s3], [sflag:s2] =	dma.local @!p0 [hbm:s0], s1  }
0x46: {  	s0 =	simm.s32 @!p0 $0x3  }
0x47: {  	_ =	swait.ge @!p0 [sflag:s0], s1  }
0x48: {  	s1 =	ssub.s32 @!p0 $0x0, s1;
	[sflag:s0] =	ssyncset.done @!p0 $0x0  }
0x49: {  	[sflag:s0] =	ssyncadd.s32 @!p0 s1  }
0x4a: {  	[bflag:$0x3] =	sbarrier.arrive $0xFFFF  }
0x4b: {  	_ =	shalt  }

// kernel: kernel.19.cloned.1.call-start
scs
__scs_entry_jumppad:
0x0: {  	(pc) =	sbr.rel $0x88, $3  }
0x1: {  	(tag) =	ssettag $0x0;
	lr =	simm.s32 $0x1  }
0x2: {  	[smem:$0x3F9A] =	sst lr;
	_ =	strace $0xD0000000  }
0x3: {  	_ = 	snop  }
0x4: {  	_ = 	snop  }
0x5: {  	_ = 	snop  }
0x6: {  	_ = 	snop  }
0x7: {  	_ = 	snop  }
__scs_overlays_trampoline_lowered:
0x8: {  	[smem:$0x3FA9] =	sst s0  }
0x9: {  	[smem:$0x3FAA] =	sst s1  }
0xa: {  	[smem:$0x3FAB] =	sst s2  }
0xb: {  	[smem:$0x3FAC] =	sst s3  }
0xc: {  	[smem:$0x3FAD] =	sst s4  }
0xd: {  	[smem:$0x3FAE] =	sst s5  }
0xe: {  	[smem:$0x3FAF] =	sst s6  }
0xf: {  	[smem:$0x3FB0] =	sst s7  }
0x10: {  	[smem:$0x3FB1] =	sst s8  }
0x11: {  	[smem:$0x3FB2] =	sst s9;
	s0 =	simm.s32 @!p0 $0x0  }
0x12: {  	s1 =	sld [smem:$0x3F98];
	s0 =	simm.s32 @p0 $0x1  }
0x13: {  	[smem:$0x3FB3] =	sst s0;
	s0 =	simm.s32 @!p1 $0x0  }
0x14: {  	s2 =	sld [smem:$0x3F97];
	s0 =	simm.s32 @p1 $0x1  }
0x15: {  	[smem:$0x3FB4] =	sst s0;
	s0 =	simm.s32 @!p2 $0x0  }
0x16: {  	s3 =	sld [smem:$0x3FDB];
	s0 =	simm.s32 @p2 $0x1  }
0x17: {  	s4 =	simm.s32 $0x1BF5;
	[smem:$0x3FB6] =	sst s0  }
0x18: {  	s0 =	sld [smem:$0x3F99];
	_ =	swait.ge [sflag:s4], $0x0  }
0x19: {  	s7 =	sld [smem:$0x3F9A]  }
0x1a: {  	s8 =	sadd.s32 $0xFFFFE003, lr  }
0x1b: {  	s9 =	sadd.s32 $0xFFFFFEF7, lr;
	s5 =	simm.s32 $0xFFFFFFFF;
	p2 =	slt.u32 s8, $0xFFFFF086  }
0x1c: {  	p1 =	slt.u32 s9, $0xF7A;
	s5 =	simm.s32 @!p2 $0x0  }
0x1d: {  	s5 =	simm.s32 @p1 $0x1;
	p0 =	seq.s32 s7, s2  }
0x1e: {  	s7 =	smul.u32 @!p0 $0xF7A, s2;
	p2 =	seq.s32 @!p0 s5, $0x0  }
0x1f: {  	s9 =	smul.u32 $0xF7A, s1;
	s8 =	simm.s32 @!p0 $0x1BF5;
	p2 =	por !p2, p0  }
0x20: {  	[sflag:s8] =	ssyncset.s32 @!p0 $0xFFFFF086;
	s6 =	sadd.s32 @!p0 s3, s7;
	s7 =	simm.s32 @!p0 $0x108  }
0x21: {  	s3 =	sadd.s32 s3, s9;
	s6 =	sadd.s32 @!p0 $0x88, s6;
	s7 =	simm.s32 @p2 $0x1082  }
0x22: {  	[simem:s7], [sflag:s8] =	dma.local @!p0 [hbm:s6], $0xF7A  }
0x23: {  	s9 =	sor.u32 $0xD0000000, s2;
	s6 =	simm.s32 $0x108;
	_ =	swait.ge @!p0 [sflag:s8], $0x0  }
0x24: {  	s3 =	sadd.s32 $0x88, s3;
	s6 =	simm.s32 @!p1 $0x1082;
	[sflag:s4] =	ssyncset.s32 $0xFFFFF086  }
0x25: {  	[simem:s6], [sflag:s4] =	dma.local [hbm:s3], $0xF7A  }
0x26: {  	[smem:$0x3F9A] =	sst s1;
	(tag) =	ssettag s2;
	_ =	strace s9  }
0x27: {  	s1 =	sld [smem:$0x3FAA]  }
0x28: {  	s2 =	sld [smem:$0x3FAB]  }
0x29: {  	s4 =	sld [smem:$0x3FAD]  }
0x2a: {  	p0 =	seq.s32 s5, $0x0;
	s5 =	sld [smem:$0x3FAE]  }
0x2b: {  	s6 =	sld [smem:$0x3FAF]  }
0x2c: {  	s7 =	sld [smem:$0x3FB0]  }
0x2d: {  	s3 =	simm.s32 $0x108;
	s8 =	sld [smem:$0x3FB1]  }
0x2e: {  	s3 =	simm.s32 @!p0 $0x1082;
	s9 =	sld [smem:$0x3FB2]  }
0x2f: {  	lr =	sadd.s32 s0, s3;
	s0 =	sld [smem:$0x3FA9]  }
0x30: {  	s3 =	sld [smem:$0x3FAC]  }
0x31: {  	[smem:$0x3FB5] =	sst s10  }
0x32: {  	s10 =	sld [smem:$0x3FB3];
	_ =	sdelay $0x3  }
0x33: {  	p0 =	seq.s32 s10, $0x1;
	s10 =	sld [smem:$0x3FB5];
	_ =	sdelay $0x3  }
0x34: {  	[smem:$0x3FB5] =	sst s10  }
0x35: {  	s10 =	sld [smem:$0x3FB4];
	_ =	sdelay $0x3  }
0x36: {  	p1 =	seq.s32 s10, $0x1;
	s10 =	sld [smem:$0x3FB5];
	_ =	sdelay $0x3  }
0x37: {  	[smem:$0x3FB5] =	sst s10  }
0x38: {  	s10 =	sld [smem:$0x3FB6]  }
0x39: {  	_ = 	snop;
	(pc) =	sbr.ind lr, $3  }
0x3a: {  	_ = 	snop  }
0x3b: {  	_ = 	snop  }
0x3c: {  	p2 =	seq.s32 s10, $0x1;
	s10 =	sld [smem:$0x3FB5]  }
0x3d: {  	_ =	shalt  }
0x3e: {  	_ =	shalt  }
0x3f: {  	_ =	shalt  }
0x40: {  	_ =	shalt  }
0x41: {  	_ =	shalt  }
0x42: {  	_ =	shalt  }
0x43: {  	_ =	shalt  }
0x44: {  	_ =	shalt  }
0x45: {  	_ =	shalt  }
0x46: {  	_ =	shalt  }
0x47: {  	_ =	shalt  }
0x48: {  	_ =	shalt  }
0x49: {  	_ =	shalt  }
0x4a: {  	_ =	shalt  }
0x4b: {  	_ =	shalt  }
0x4c: {  	_ =	shalt  }
0x4d: {  	_ =	shalt  }
0x4e: {  	_ =	shalt  }
0x4f: {  	_ =	shalt  }
0x50: {  	_ =	shalt  }
0x51: {  	_ =	shalt  }
0x52: {  	_ =	shalt  }
0x53: {  	_ =	shalt  }
0x54: {  	_ =	shalt  }
0x55: {  	_ =	shalt  }
0x56: {  	_ =	shalt  }
0x57: {  	_ =	shalt  }
0x58: {  	_ =	shalt  }
0x59: {  	_ =	shalt  }
0x5a: {  	_ =	shalt  }
0x5b: {  	_ =	shalt  }
0x5c: {  	_ =	shalt  }
0x5d: {  	_ =	shalt  }
0x5e: {  	_ =	shalt  }
0x5f: {  	_ =	shalt  }
0x60: {  	_ =	shalt  }
0x61: {  	_ =	shalt  }
0x62: {  	_ =	shalt  }
0x63: {  	_ =	shalt  }
0x64: {  	_ =	shalt  }
0x65: {  	_ =	shalt  }
0x66: {  	_ =	shalt  }
0x67: {  	_ =	shalt  }
0x68: {  	_ =	shalt  }
0x69: {  	_ =	shalt  }
0x6a: {  	_ =	shalt  }
0x6b: {  	_ =	shalt  }
0x6c: {  	_ =	shalt  }
0x6d: {  	_ =	shalt  }
0x6e: {  	_ =	shalt  }
0x6f: {  	_ =	shalt  }
0x70: {  	_ =	shalt  }
0x71: {  	_ =	shalt  }
0x72: {  	_ =	shalt  }
0x73: {  	_ =	shalt  }
0x74: {  	_ =	shalt  }
0x75: {  	_ =	shalt  }
0x76: {  	_ =	shalt  }
0x77: {  	_ =	shalt  }
0x78: {  	_ =	shalt  }
0x79: {  	_ =	shalt  }
0x7a: {  	_ =	shalt  }
0x7b: {  	_ =	shalt  }
0x7c: {  	_ =	shalt  }
0x7d: {  	_ =	shalt  }
0x7e: {  	_ =	shalt  }
0x7f: {  	_ =	shalt  }
0x80: {  	_ =	shalt  }
0x81: {  	_ =	shalt  }
0x82: {  	_ =	shalt  }
0x83: {  	_ =	shalt  }
0x84: {  	_ =	shalt  }
0x85: {  	_ =	shalt  }
0x86: {  	_ =	shalt  }
0x87: {  	_ =	shalt  }
.Lfunc_end0:
.L_simem_size_0:
called_computation.3_lowered:
.L_overlay_start_0:
0x88: {  	s2 =	sld [smem:$0x3FD9]  }
0x89: {  	s3 =	sld [smem:$0x3FFE];
	_ =	sdelay $0x1  }
0x8a: {  	s1 =	srdreg.scid  }
0x8b: {  	s0 =	sand.u32 $0x1, s1  }
0x8c: {  	s17 =	sshll.u32 s0, $0xA;
	s2 =	sadd.s32 s3, s2  }
0x8d: {  	s2 =	sadd.s32 s2, s17  }
0x8e: {  	[smem:$0x3FC1] =	sst s2  }
0x8f: {  	_ = 	snop  }
0x90: {  	s18 =	sld [smem:$0x3FC9];
	(tm) =	ssettm $0x1  }
0x91: {  	s19 =	sld [smem:$0x3FFB];
	_ =	sdelay $0x3  }
0x92: {  	_ =	strace s19  }
0x93: {  	s2 =	sld [smem:$0x3FFC];
	_ =	sdelay $0x3  }
0x94: {  	_ =	strace s2  }
0x95: {  	s2 =	sld [smem:$0x3FFD];
	_ =	sdelay $0x3  }
0x96: {  	_ =	strace s2  }
0x97: {  	_ =	strace $0x8FFFFFFF  }
0x98: {  	s20 =	sld [smem:$0x3FDB];
	_ =	sdelay $0x1  }
0x99: {  	s4 =	simm.s32 $_scs_section_size  }
0x9a: {  	s5 =	simm.s32 $_size__tile_overlayer_lowered;
	s6 =	simm.s32 $_tile_overlayer_lowered  }
0x9b: {  	s7 =	simm.s32 $0x1BFF;
	s21 =	sshll.u32 s6, $0x1;
	s4 =	sadd.s32 s4, s20  }
0x9c: {  	s22 =	simm.s32 $0x0;
	s5 =	sshll.u32 s5, $0x1;
	s6 =	sadd.s32 s21, s4  }
0x9d: {  	[timem:s22], [sflag:s7] =	dma.local [hbm:s6], s5  }
0x9e: {  	_ =	swait.ge [sflag:s7], s5  }
0x9f: {  	s5 =	ssub.s32 $0x0, s5;
	[sflag:s7] =	ssyncset.done $0x0  }
0xa0: {  	[sflag:s7] =	ssyncadd.s32 s5;
	_ =	sdelay $0x1  }
0xa1: {  	s23 =	simm.s32 $0x1B8B  }
0xa2: {  	_ =	swait.ge [sflag:s23], $0x1  }
0xa3: {  	[sflag:s23] =	ssyncset.done $0x0  }
0xa4: {  	[sflag:s23] =	ssyncadd.s32 $0xFFFFFFFF  }
0xa5: {  	s5 =	sld [smem:$0x0]  }
0xa6: {  	s6 =	sand.u32 $0xFFFFFFFE, s1  }
0xa7: {  	p0 =	sne.s32 s1, s6  }
0xa8: {  	s6 =	sshll.u32 @p0 s6, $0xE  }
0xa9: {  	s6 =	sadd.s32 @p0 $0x11B8D, s6;
	s7 =	sshll.u32 @p0 s5, $0x11  }
0xaa: {  	s6 =	sor.u32 @p0 s7, s6  }
0xab: {  	[sflag:s6] =	ssyncadd.remote.s32 @p0 $0x1;
	_ =	sdelay $0x1  }
0xac: {  	s6 =	simm.s32 @p0 $0x1B8D  }
0xad: {  	_ =	swait.eq @p0 [sflag:s6], $0x1  }
0xae: {  	[sflag:s6] =	ssyncadd.s32 @p0 $0xFFFFFFFF  }
0xaf: {  	s7 =	sshll.u32 @!p0 s1, $0xE  }
0xb0: {  	s7 =	sor.u32 @!p0 $0x4000, s7;
	s6 =	simm.s32 @!p0 $0x1B8D  }
0xb1: {  	s5 =	sshll.u32 @!p0 s5, $0x11;
	s7 =	sadd.s32 @!p0 $0x11B8D, s7;
	_ =	swait.eq @!p0 [sflag:s6], $0x1  }
0xb2: {  	s5 =	sor.u32 @!p0 s5, s7;
	[sflag:s6] =	ssyncadd.s32 @!p0 $0xFFFFFFFF  }
0xb3: {  	s25 =	simm.s32 $0x1B8E;
	s24 =	sld [smem:$0x3FFE];
	[sflag:s5] =	ssyncadd.remote.s32 @!p0 $0x1  }
0xb4: {  	s26 =	simm.s32 $execute0_lowered;
	[smem:$0x3FD2] =	sst s25  }
0xb5: {  	s6 =	sshll.u32 s26, $0x1;
	_ =	strace $0x8000004F;
	[dreg:$0x1] =	wrdreg $0xFFFFFFFF  }
0xb6: {  	s28 =	simm.s32 $_size_execute0_lowered;
	s4 =	sadd.s32 s4, s6;
	[dreg:$0x0] =	wrdreg $0x0  }
0xb7: {  	s6 =	sshll.u32 s28, $0x1;
	[dreg:$0x2] =	wrdreg s4  }
0xb8: {  	[dreg:$0x3] =	wrdreg s6  }
0xb9: {  	[dreg:$0x4] =	wrdreg $0xC0  }
0xba: {  	_ =	task [dreg:s22], $0x5FFFF  }
0xbb: {  	[dreg:$0x1] =	wrdreg $0xFFFFFFFF  }
0xbc: {  	[dreg:$0x0] =	wrdreg $0x60  }
0xbd: {  	[dreg:$0x2] =	wrdreg s18  }
0xbe: {  	[dreg:$0x3] =	wrdreg s24  }
0xbf: {  	[dreg:$0x4] =	wrdreg $0x35800  }
0xc0: {  	[dreg:$0x5] =	wrdreg $0xC  }
0xc1: {  	_ =	task.clear_ibuf [dreg:s22], $0x6FFFF;
	_ =	strace $0x9000004F  }
0xc2: {  	s29 =	simm.s32 $0xC;
	_ =	strace $0x80000051  }
0xc3: {  	_ =	swait.ge [sflag:s29], $0x1  }
0xc4: {  	[sflag:s29] =	ssyncadd.s32 $0xFFFFFFFF  }
0xc5: {  	_ =	strace $0x90000051  }
0xc6: {  	_ =	sfence  }
0xc7: {  	s30 =	sld [smem:$0x0];
	_ =	sdelay $0x2  }
0xc8: {  	s31 =	sshll.u32 s1, $0xD;
	s1 =	sshrl.u32 s1, $0x2  }
0xc9: {  	s4 =	sand.u32 $0x4000, s31;
	s1 =	sadd.s32 s1, s30  }
0xca: {  	s0 =	sor.u32 s4, s0;
	s1 =	sshll.u32 s1, $0x11  }
0xcb: {  	s0 =	sor.u32 s1, s0  }
0xcc: {  	s0 =	sadd.s32 $0x8F2B, s0  }
0xcd: {  	[sflag:s0] =	ssyncadd.remote.s32 $0x1  }
0xce: {  	_ =	sfence.sel $0xFFFF  }
0xcf: {  	[dreg:$0x0] =	wrdreg $0xFFFFFFFF;
	(pc) =	sbr.abs _section_cstart, $3  }
0xd0: {  	[dreg:$0x1] =	wrdreg $0xFFFFFFFF  }
0xd1: {  	_ =	task.clear_ibuf [dreg:s22], $0x2FFFF;
	_ =	strace $0x9FFFFFFF  }
0xd2: {  	(tm) =	ssettm $0x7FFFFFFF  }
0xd3: {  	_ =	shalt  }
tec
execute0_lowered:
.L_overlay_start_1:
0x0: {  	(tag) =	ssettag $0x1  }
0x1: {  	s5 =	rddreg [dreg:$0x0]  }
0x2: {  	s6 =	rddreg [dreg:$0x1]  }
0x3: {  	s1 =	rddreg [dreg:$0x2]  }
0x4: {  	s0 =	rddreg [dreg:$0x3];
	s2 =	simm.s32 $0x0  }
0x5: {  	s9 =	stileid.u32;
	s3 =	srdreg.scid;
	s15 =	simm.s32 $0x2  }
0x6: {  	s16 =	simm.s32 $0x0;
	[smem:$0x7FF] =	sst s2;
	s4 =	smul.u32 $0xA200, s9  }
0x7: {  	s7 =	sand.u32 $0x1, s3;
	s8 =	smul.u32 $0x4E000, s9;
	s11 =	sshll.u32 s9, $0x1  }
0x8: {  	s12 =	smul.u32 $0x2700, s9;
	s30 =	sshll.u32 s9, $0x6;
	p0 =	sne.s32 s9, $0x0  }
0x9: {  	_ =	strace $0x80000050;
	s3 =	ssub.s32 $0x2, s7;
	s11 =	sor.u32 s7, s11  }
0xa: {  	s7 =	smul.u32 $0x5100, s7;
	s10 =	sadd.s32 s4, s6;
	s28 =	sshrl.u32 s3, $0x1  }
0xb: {  	s8 =	sshrl.u32 s8, $0x2;
	s29 =	smul.u32 $0x2710, s11;
	s4 =	sor.u32 $0x1C03, s30  }
0xc: {  	s11 =	sadd.s32 $0x138000, s1;
	s13 =	ssub.s32 s3, s28;
	s14 =	sadd.s32 s8, s1  }
.Ltmp0:
0xd: {  	s3 =	sadd.s32 s5, s12;
	s5 =	sadd.s32 $0x27000, s5;
	(pc) =	sbr.rel .LBB2_1-.Ltmp0, $4  }
0xe: {  	s31 =	sadd.s32 s7, s10;
	s10 =	simm.s32 $0x3;
	s11 =	sshrl.u32 @!p0 s11, $0x3  }
0xf: {  	s12 =	simm.s32 $0x580;
	s8 =	sshrl.u32 s29, $0x3;
	s7 =	smax.u32 s13, $0x1  }
0x10: {  	s9 =	sshrl.u32 s14, $0x3;
	s13 =	simm.s32 $0x30;
	s6 =	sadd.s32 s6, s8  }
0x11: {  	s14 =	simm.s32 $0x1;
	s8 =	sadd.s32 $0x44B800, s31;
	s6 =	sadd.s32 $0x1E40, s6  }
.LBB2_7:
0x12: {  	s16 =	sadd.s32 $0x1, s16  }
0x13: {  	_ =	swait.ge [sflag:s15], $0x1800;
	p1 =	sne.s32 s16, s7  }
.Ltmp1:
0x14: {  	[sflag:s15] =	ssyncset.done $0x0;
	(pc) =	sbr.rel @!p1 .LBB2_8-.Ltmp1, $4  }
0x15: {  	[sflag:s15] =	ssyncadd.s32 $0xFFFFE800  }
0x16: {  	_ =	swait.ge [sflag:s15], $0x1800  }
0x17: {  	[sflag:s15] =	ssyncset.done $0x0  }
0x18: {  	[sflag:s15] =	ssyncadd.s32 $0xFFFFE800  }
.LBB2_1:
0x19: {  	[spmem:s9], [sflag:s4] =	dma.local [hbm:s3], $0x2700  }
0x1a: {  	_ =	swait.ge [sflag:s10], $0x2700  }
0x1b: {  	[sflag:s10] =	ssyncset.done $0x0  }
0x1c: {  	s17 =	simm.s32 @!p0 $0x3;
	[sflag:s10] =	ssyncadd.s32 $0xFFFFD900  }
0x1d: {  	[spmem:s11], [sflag:s4] =	dma.local @!p0 [hbm:s5], $0x100  }
0x1e: {  	_ =	swait.ge @!p0 [sflag:s17], $0x100  }
0x1f: {  	[sflag:s17] =	ssyncset.done @!p0 $0x0  }
0x20: {  	[sflag:s17] =	ssyncadd.s32 @!p0 $0xFFFFFF00  }
0x21: {  	[tilespmem:s2], [sflag:$0x3] =	stream.linear.gather [hbm4b:s6+s2], $0x510, $0x38;
	[tilespmem:$0x16E00] =	vst v63  }
.Ltmp2:
0x22: {  	_ =	swait.ge [sflag:s10], $0x510;
	(pc) =	sbr.rel .LBB2_2-.Ltmp2, $4  }
0x23: {  	[sflag:s10] =	ssyncset.done $0x0  }
0x24: {  	s18 =	simm.s32 $0x1;
	[sflag:s10] =	ssyncadd.s32 $0xFFFFFAF0  }
0x25: {  	s19 =	smov.u32 s8;
	s17 =	simm.s32 $0x30;
	[bflag:$0x0] =	sbarrier.arrive $0xFFFF  }
0x26: {  	[tilespmem:s12], [sflag:$0x1] =	stream.indirect.gather [spmem:s1], $0x80, s2, s13, $0xb8;
	[tilespmem:$0x16E00] =	vst v63  }
.LBB2_5:
0x27: {  	s21 =	sand.u32 $0x1, s18  }
0x28: {  	p1 =	seq.s32 s21, $0x1;
	s21 =	simm.s32 $0x1D80  }
0x29: {  	s21 =	simm.s32 @!p1 $0x580  }
0x2a: {  	[tilespmem:s21], [sflag:$0x1] =	stream.indirect.gather [spmem:s1], $0x80, s17, s13, $0xb8;
	[tilespmem:$0x16E00] =	vst v63  }
.LBB2_6:
0x2b: {  	s20 =	sand.u32 $0x1, s20  }
0x2c: {  	s18 =	sadd.s32 $0x1, s18;
	p1 =	seq.s32 s20, $0x1;
	s20 =	simm.s32 $0x1D80  }
0x2d: {  	s20 =	simm.s32 @!p1 $0x580;
	p1 =	sne.s32 s18, $0x1C  }
.Ltmp3:
0x2e: {  	_ =	swait.ge [sflag:s14], $0x1800;
	(pc) =	sbr.rel @!p1 .LBB2_7-.Ltmp3, $4  }
0x2f: {  	[sflag:s14] =	ssyncset.done $0x0  }
0x30: {  	[sflag:s14] =	ssyncadd.s32 $0xFFFFE800  }
0x31: {  	[hbm4b:s19+s2] =	stream.linear.scatter [tilespmem:s20], [sflag:$0x2], $0x1800, $0x38;
	[tilespmem:$0x16E00] =	vst v63  }
0x32: {  	s17 =	sadd.s32 $0x30, s17;
	s19 =	sadd.s32 $0x300, s19  }
.LBB2_2:
0x33: {  	s20 =	sadd.s32 $0xFFFFFFFF, s18  }
0x34: {  	p1 =	seq.s32 s20, $0x0  }
.Ltmp4:
0x35: {  	_ = 	snop;
	(pc) =	sbr.rel @p1 .LBB2_5-.Ltmp4, $1  }
0x36: {  	_ =	sdelay $0x3  }
0x37: {  	p1 =	seq.s32 s20, $0x1A  }
.Ltmp5:
0x38: {  	_ = 	snop;
	(pc) =	sbr.rel @p1 .LBB2_6-.Ltmp5, $1  }
0x39: {  	_ =	sdelay $0x3  }
.Ltmp6:
0x3a: {  	(pc) =	sbr.rel .LBB2_5-.Ltmp6, $4  }
0x3b: {  	_ = 	snop  }
0x3c: {  	_ =	swait.ge [sflag:s15], $0x1800  }
0x3d: {  	[sflag:s15] =	ssyncset.done $0x0  }
0x3e: {  	[sflag:s15] =	ssyncadd.s32 $0xFFFFE800  }
.LBB2_8:
0x3f: {  	_ =	sfence.sel $0x180000  }
0x40: {  	[bflag:$0x0] =	sbarrier.arrive $0xFFFF  }
0x41: {  	_ =	strace $0x90000050  }
0x42: {  	s0 =	sadd.s32 @!p0 $0x100000, s0;
	[bflag:$0x2] =	sbarrier.arrive $0xFFFF  }
0x43: {  	[sflag:s0] =	ssyncadd.tile.s32 @!p0 $0x1;
	_ =	shalt  }
.Lfunc_end2:
_tile_overlayer_lowered:
.L_overlay_start_2:
0x44: {  	(tag) =	ssettag $0x2  }
0x45: {  	s0 =	rddreg [dreg:$0x0];
	s2 =	stileid.u32  }
0x46: {  	s1 =	rddreg [dreg:$0x1];
	p0 =	sne.s32 s2, $0x0  }
0x47: {  	s3 =	rddreg [dreg:$0x2];
	[bflag:$0x3] =	sbarrier.arrive $0xFFFF;
	s2 =	simm.s32 @!p0 $0x1C03  }
0x48: {  	[timem:s3], [sflag:s2] =	dma.local @!p0 [hbm:s0], s1  }
0x49: {  	s0 =	simm.s32 @!p0 $0x3  }
0x4a: {  	_ =	swait.ge @!p0 [sflag:s0], s1  }
0x4b: {  	s1 =	ssub.s32 @!p0 $0x0, s1;
	[sflag:s0] =	ssyncset.done @!p0 $0x0  }
0x4c: {  	[sflag:s0] =	ssyncadd.s32 @!p0 s1  }
0x4d: {  	[bflag:$0x3] =	sbarrier.arrive $0xFFFF  }
0x4e: {  	_ =	shalt  }

</sc_bundles>
